<compile_context>
chip_gen: v7x
topology: tpu7x:2x2x1
jax: 0.10.2.dev20260603
libtpu: 0.0.44.dev20260713+nightly
codegen_flags: <defaults>
</compile_context>

<pallas_src>
import jax
import jax.numpy as jnp
from jax import lax
from jax.experimental import pallas as pl
from jax.experimental.pallas import tpu as pltpu
from jax.experimental.pallas import tpu_sc as plsc

_N = 262144
_NSC = 131072
_NTC = _N - _NSC
_NC = 2
_NS = 16
_NW = _NC * _NS
_L = 16
_A = _NSC // _NW
_ITERS = _A // _L
_U = 16
_NACC = 8

_C = (5.621959008883515e-07, 0.9999574870750662, -0.4992065685478449,
      0.32697310001386687, -0.2228362583280196, 0.13076503250423846,
      -0.052624851367851076, 0.010119082927824848)

_mesh = plsc.VectorSubcoreMesh(core_axis_name="c", subcore_axis_name="s")


def _sc_body(x0_hbm, x1_hbm, gt_hbm, out_hbm,
             x0_v, x1_v, gt_v, part_v, sem0, sem1, sem2):
    wid = lax.axis_index("s") * _NC + lax.axis_index("c")
    base = wid * _A
    c0 = pltpu.async_copy(x0_hbm.at[pl.ds(base, _A)], x0_v, sem0)
    c1 = pltpu.async_copy(x1_hbm.at[pl.ds(base, _A)], x1_v, sem1)
    c2 = pltpu.async_copy(gt_hbm.at[pl.ds(base, _A)], gt_v, sem2)
    c0.wait()
    c1.wait()
    c2.wait()

    zero = jnp.zeros((_L,), jnp.float32)

    def step(b, acc, cnt):
        y = gt_v[pl.ds(b, _L)]
        x0 = x0_v[pl.ds(b, _L)]
        x1 = x1_v[pl.ds(b, _L)]
        d = x1 - x0
        rp = jnp.maximum(d, 0.0)
        rm = rp - d
        pos = y == 1
        zrelu = jnp.where(pos, rm, rp)
        e = jnp.exp(jnp.minimum(d, -d))
        p = _C[7]
        for cf in _C[6::-1]:
            p = p * e + cf
        nll = zrelu + p
        valid = y != -1
        acc = acc + jnp.where(valid, nll, 0.0)
        cnt = cnt + jnp.where(valid, 1.0, 0.0)
        return acc, cnt

    def body(i, carry):
        accs = list(carry[:_NACC])
        cnts = list(carry[_NACC:])
        for k in range(_U):
            b = (i * _U + k) * _L
            j = k % _NACC
            accs[j], cnts[j] = step(b, accs[j], cnts[j])
        return tuple(accs) + tuple(cnts)

    carry = plsc.parallel_loop(
        0, _ITERS // _U, carry=(zero,) * (2 * _NACC))(body)
    acc = sum(carry[1:_NACC], carry[0])
    cnt = sum(carry[_NACC + 1:], carry[_NACC])

    part_v[pl.ds(0, _L)] = acc
    part_v[pl.ds(_L, _L)] = cnt
    pltpu.sync_copy(part_v, out_hbm.at[pl.ds(wid * 2 * _L, 2 * _L)])


def _tc_body(x0_ref, x1_ref, y_ref, o_ref):
    x0 = x0_ref[...]
    x1 = x1_ref[...]
    y = y_ref[...]
    d = x1 - x0
    rp = jnp.maximum(d, 0.0)
    zrelu = jnp.where(y == 1, rp - d, rp)
    nll = zrelu + jnp.log1p(jnp.exp(-jnp.abs(d)))
    m = (y != -1).astype(jnp.float32)
    o_ref[0, 0] = jnp.sum(nll * m)
    o_ref[0, 1] = jnp.sum(m)


def _tc_fin(p_ref, t_ref, o_ref):
    v = p_ref[...]
    k = lax.broadcasted_iota(jnp.int32, (8, 128), 1) % (2 * _L)
    is_sum = k < _L
    s = jnp.sum(jnp.where(is_sum, v, 0.0)) + t_ref[0, 0]
    c = jnp.sum(jnp.where(is_sum, 0.0, v)) + t_ref[0, 1]
    o_ref[0, 0] = jnp.clip(s / jnp.maximum(c, 1.0), 0.0, 10.0)


def kernel(pred_cls, gt_cls):
    x = pred_cls.reshape(_N, 2)
    gt = gt_cls.reshape(_N)
    x0s = x[:_NSC, 0]
    x1s = x[:_NSC, 1]
    gts = gt[:_NSC]
    (xb,) = lax.optimization_barrier((x,))
    x0t = xb[_NSC:, 0].reshape(_NTC // 128, 128)
    x1t = xb[_NSC:, 1].reshape(_NTC // 128, 128)
    gtt = gt[_NSC:].reshape(_NTC // 128, 128)

    parts = pl.kernel(
        _sc_body,
        out_type=jax.ShapeDtypeStruct((_NW * 2 * _L,), jnp.float32),
        mesh=_mesh,
        scratch_types=[
            pltpu.VMEM((_A,), jnp.float32),
            pltpu.VMEM((_A,), jnp.float32),
            pltpu.VMEM((_A,), jnp.int32),
            pltpu.VMEM((2 * _L,), jnp.float32),
            pltpu.SemaphoreType.DMA,
            pltpu.SemaphoreType.DMA,
            pltpu.SemaphoreType.DMA,
        ],
    )(x0s, x1s, gts)

    tc_part = pl.pallas_call(
        _tc_body,
        out_shape=jax.ShapeDtypeStruct((1, 2), jnp.float32),
        out_specs=pl.BlockSpec(memory_space=pltpu.SMEM),
    )(x0t, x1t, gtt)

    out = pl.pallas_call(
        _tc_fin,
        out_shape=jax.ShapeDtypeStruct((1, 1), jnp.float32),
        in_specs=[
            pl.BlockSpec((8, 128), lambda: (0, 0)),
            pl.BlockSpec(memory_space=pltpu.SMEM),
        ],
        out_specs=pl.BlockSpec(memory_space=pltpu.SMEM),
    )(parts.reshape(8, 128), tc_part)
    return out[0, 0]

# --- scband reference (transcript-rebuilt; emitter-appended) ---
"""Pipeline reference for scband-rpn-cls-loss-11673721110736 (READ-ONLY COPY).

The authoritative reference and input builder live on the scoring server;
editing this copy changes nothing except your own understanding.
"""

import jax, jax.numpy as jnp
import numpy as np

N = 262144

def setup_inputs(seed: int = 0) -> dict:
    key = jax.random.key(seed)
    k1, k2 = jax.random.split(key)
    pred_cls = jax.random.normal(k1, (1, N, 2), dtype=jnp.float32)
    gt_cls = jax.random.randint(k2, (1, 1, N), 0, 2).astype(jnp.int32)
    return {"pred_cls": pred_cls, "gt_cls": gt_cls}


def reference(pred_cls, gt_cls):
    # OHEM global assumed False -> masked NLL branch.
    # y_true = gt_cls[0][0]; keep anchors where label != -1 (ignore label),
    # loss = mean over kept anchors of NLL(log_softmax(pred)), clamped to [0, 10].
    y_true = gt_cls[0][0]                      # [N]
    logits = pred_cls[0]                       # [N, 2]
    mask = (y_true != -1).astype(jnp.float32)  # [N]
    logp = jax.nn.log_softmax(logits, axis=-1)  # [N, 2]
    tgt = jnp.clip(y_true, 0, 1).astype(jnp.int32)
    nll = -jnp.take_along_axis(logp, tgt[:, None], axis=-1)[:, 0]  # [N]
    denom = jnp.maximum(jnp.sum(mask), 1.0)
    loss = jnp.sum(nll * mask) / denom
    loss = jnp.clip(loss, 0.0, 10.0)
    return loss

if __name__ == "__main__":
    import jax
    _d = setup_inputs()
    print(jax.jit(kernel)(*tuple(_d.values())))

</pallas_src>

<mosaic_0001>
#map = affine_map<(d0, d1) -> (0)>
module attributes {stable_mosaic.version = 14 : i64} {
  func.func @_sc_body(%arg0: i32, %arg1: i32, %arg2: memref<131072xf32, #tpu.memory_space<hbm>>, %arg3: memref<131072xf32, #tpu.memory_space<hbm>>, %arg4: memref<131072xi32, #tpu.memory_space<hbm>>, %arg5: memref<1024xf32, #tpu.memory_space<hbm>>, %arg6: memref<4096xf32, #tpu.memory_space<vmem>>, %arg7: memref<4096xf32, #tpu.memory_space<vmem>>, %arg8: memref<4096xi32, #tpu.memory_space<vmem>>, %arg9: memref<32xf32, #tpu.memory_space<vmem>>, %arg10: memref<!tpu.dma_semaphore, #tpu.memory_space<semaphore_mem>>, %arg11: memref<!tpu.dma_semaphore, #tpu.memory_space<semaphore_mem>>, %arg12: memref<!tpu.dma_semaphore, #tpu.memory_space<semaphore_mem>>) attributes {dimension_semantics = [#tpu.dimension_semantics<core_parallel>, #tpu.dimension_semantics<subcore_parallel>], iteration_bounds = array<i64: 2, 16>, scalar_prefetch = 0 : i64, scratch_operands = 7 : i64, tpu.core_type = #tpu.core_type<sc_vector_subcore>, window_params = [{transform_indices = #map}, {transform_indices = #map}, {transform_indices = #map}, {transform_indices = #map}]} {
    %mul3A = arith.constant 2 : i32
    %mul3A_0 = arith.muli %arg1, %mul3A : i32
    %add3A = arith.addi %mul3A_0, %arg0 : i32
    %mul3A_1 = arith.constant 4096 : i32
    %mul3A_2 = arith.muli %add3A, %mul3A_1 : i32
    %dma_start3A = tpu.memref_slice %arg2[%mul3A_2] : memref<131072xf32, #tpu.memory_space<hbm>> -> memref<4096xf32, #tpu.memory_space<hbm>>
    %dma_start3A_3 = tpu.memref_slice %arg2[%mul3A_2] : memref<131072xf32, #tpu.memory_space<hbm>> -> memref<4096xf32, #tpu.memory_space<hbm>>
    tpu.enqueue_dma source(%dma_start3A_3 : memref<4096xf32, #tpu.memory_space<hbm>>) target(%arg6 : memref<4096xf32, #tpu.memory_space<vmem>>) target_semaphore(%arg10 : memref<!tpu.dma_semaphore, #tpu.memory_space<semaphore_mem>>)
    %dma_start3A_4 = tpu.memref_slice %arg3[%mul3A_2] : memref<131072xf32, #tpu.memory_space<hbm>> -> memref<4096xf32, #tpu.memory_space<hbm>>
    %dma_start3A_5 = tpu.memref_slice %arg3[%mul3A_2] : memref<131072xf32, #tpu.memory_space<hbm>> -> memref<4096xf32, #tpu.memory_space<hbm>>
    tpu.enqueue_dma source(%dma_start3A_5 : memref<4096xf32, #tpu.memory_space<hbm>>) target(%arg7 : memref<4096xf32, #tpu.memory_space<vmem>>) target_semaphore(%arg11 : memref<!tpu.dma_semaphore, #tpu.memory_space<semaphore_mem>>)
    %dma_start3A_6 = tpu.memref_slice %arg4[%mul3A_2] : memref<131072xi32, #tpu.memory_space<hbm>> -> memref<4096xi32, #tpu.memory_space<hbm>>
    %dma_start3A_7 = tpu.memref_slice %arg4[%mul3A_2] : memref<131072xi32, #tpu.memory_space<hbm>> -> memref<4096xi32, #tpu.memory_space<hbm>>
    tpu.enqueue_dma source(%dma_start3A_7 : memref<4096xi32, #tpu.memory_space<hbm>>) target(%arg8 : memref<4096xi32, #tpu.memory_space<vmem>>) target_semaphore(%arg12 : memref<!tpu.dma_semaphore, #tpu.memory_space<semaphore_mem>>)
    %dma_wait3A = tpu.memref_slice %arg2[%mul3A_2] : memref<131072xf32, #tpu.memory_space<hbm>> -> memref<4096xf32, #tpu.memory_space<hbm>>
    %dma_wait3A_8 = tpu.memref_slice %arg2[%mul3A_2] : memref<131072xf32, #tpu.memory_space<hbm>> -> memref<4096xf32, #tpu.memory_space<hbm>>
    tpu.wait_dma2 semaphore(%arg10 : memref<!tpu.dma_semaphore, #tpu.memory_space<semaphore_mem>>) src(%dma_wait3A_8 : memref<4096xf32, #tpu.memory_space<hbm>>) dst(%arg6 : memref<4096xf32, #tpu.memory_space<vmem>>)
    %dma_wait3A_9 = tpu.memref_slice %arg3[%mul3A_2] : memref<131072xf32, #tpu.memory_space<hbm>> -> memref<4096xf32, #tpu.memory_space<hbm>>
    %dma_wait3A_10 = tpu.memref_slice %arg3[%mul3A_2] : memref<131072xf32, #tpu.memory_space<hbm>> -> memref<4096xf32, #tpu.memory_space<hbm>>
    tpu.wait_dma2 semaphore(%arg11 : memref<!tpu.dma_semaphore, #tpu.memory_space<semaphore_mem>>) src(%dma_wait3A_10 : memref<4096xf32, #tpu.memory_space<hbm>>) dst(%arg7 : memref<4096xf32, #tpu.memory_space<vmem>>)
    %dma_wait3A_11 = tpu.memref_slice %arg4[%mul3A_2] : memref<131072xi32, #tpu.memory_space<hbm>> -> memref<4096xi32, #tpu.memory_space<hbm>>
    %dma_wait3A_12 = tpu.memref_slice %arg4[%mul3A_2] : memref<131072xi32, #tpu.memory_space<hbm>> -> memref<4096xi32, #tpu.memory_space<hbm>>
    tpu.wait_dma2 semaphore(%arg12 : memref<!tpu.dma_semaphore, #tpu.memory_space<semaphore_mem>>) src(%dma_wait3A_12 : memref<4096xi32, #tpu.memory_space<hbm>>) dst(%arg8 : memref<4096xi32, #tpu.memory_space<vmem>>)
    %broadcast_in_dim3A = arith.constant 0.000000e+00 : f32
    %broadcast_in_dim3A_13 = vector.broadcast %broadcast_in_dim3A : f32 to vector<16xf32>
    %parallel_loop3A = arith.constant 0 : i32
    %parallel_loop3A_14 = arith.constant 16 : i32
    %parallel_loop3A_15 = arith.constant 1 : i32
    %parallel_loop3A_16:16 = scf.for %parallel_loop3A_42 = %parallel_loop3A to %parallel_loop3A_14 step %parallel_loop3A_15 iter_args(%parallel_loop3A_43 = %broadcast_in_dim3A_13, %parallel_loop3A_44 = %broadcast_in_dim3A_13, %parallel_loop3A_45 = %broadcast_in_dim3A_13, %parallel_loop3A_46 = %broadcast_in_dim3A_13, %parallel_loop3A_47 = %broadcast_in_dim3A_13, %parallel_loop3A_48 = %broadcast_in_dim3A_13, %parallel_loop3A_49 = %broadcast_in_dim3A_13, %parallel_loop3A_50 = %broadcast_in_dim3A_13, %parallel_loop3A_51 = %broadcast_in_dim3A_13, %parallel_loop3A_52 = %broadcast_in_dim3A_13, %parallel_loop3A_53 = %broadcast_in_dim3A_13, %parallel_loop3A_54 = %broadcast_in_dim3A_13, %parallel_loop3A_55 = %broadcast_in_dim3A_13, %parallel_loop3A_56 = %broadcast_in_dim3A_13, %parallel_loop3A_57 = %broadcast_in_dim3A_13, %parallel_loop3A_58 = %broadcast_in_dim3A_13) -> (vector<16xf32>, vector<16xf32>, vector<16xf32>, vector<16xf32>, vector<16xf32>, vector<16xf32>, vector<16xf32>, vector<16xf32>, vector<16xf32>, vector<16xf32>, vector<16xf32>, vector<16xf32>, vector<16xf32>, vector<16xf32>, vector<16xf32>, vector<16xf32>)  : i32 {
      %parallel_loop3A_59 = arith.constant 16 : i32
      %parallel_loop3A_60 = arith.muli %parallel_loop3A_42, %parallel_loop3A_59 : i32
      %parallel_loop3A_61 = arith.constant 0 : i32
      %parallel_loop3A_62 = arith.addi %parallel_loop3A_60, %parallel_loop3A_61 : i32
      %parallel_loop3A_63 = arith.constant 16 : i32
      %parallel_loop3A_64 = arith.muli %parallel_loop3A_62, %parallel_loop3A_63 : i32
      %parallel_loop3A_65 = arith.index_cast %parallel_loop3A_64 : i32 to index
      %parallel_loop3A_66 = tpu.vector_load %arg8[%parallel_loop3A_65] {strides = array<i32>} : memref<4096xi32, #tpu.memory_space<vmem>>, vector<16xi32>,
      %parallel_loop3A_67 = vector.shape_cast %parallel_loop3A_66 : vector<16xi32> to vector<16xi32>
      %parallel_loop3A_68 = arith.index_cast %parallel_loop3A_64 : i32 to index
      %parallel_loop3A_69 = tpu.vector_load %arg6[%parallel_loop3A_68] {strides = array<i32>} : memref<4096xf32, #tpu.memory_space<vmem>>, vector<16xf32>,
      %parallel_loop3A_70 = vector.shape_cast %parallel_loop3A_69 : vector<16xf32> to vector<16xf32>
      %parallel_loop3A_71 = arith.index_cast %parallel_loop3A_64 : i32 to index
      %parallel_loop3A_72 = tpu.vector_load %arg7[%parallel_loop3A_71] {strides = array<i32>} : memref<4096xf32, #tpu.memory_space<vmem>>, vector<16xf32>,
      %parallel_loop3A_73 = vector.shape_cast %parallel_loop3A_72 : vector<16xf32> to vector<16xf32>
      %parallel_loop3A_74 = arith.subf %parallel_loop3A_73, %parallel_loop3A_70 : vector<16xf32>
      %parallel_loop3A_75 = arith.constant 0.000000e+00 : f32
      %parallel_loop3A_76 = vector.broadcast %parallel_loop3A_75 : f32 to vector<16xf32>
      %parallel_loop3A_77 = arith.maximumf %parallel_loop3A_74, %parallel_loop3A_76 : vector<16xf32>
      %parallel_loop3A_78 = arith.subf %parallel_loop3A_77, %parallel_loop3A_74 : vector<16xf32>
      %parallel_loop3A_79 = arith.constant 1 : i32
      %parallel_loop3A_80 = vector.broadcast %parallel_loop3A_79 : i32 to vector<16xi32>
      %parallel_loop3A_81 = arith.cmpi eq, %parallel_loop3A_67, %parallel_loop3A_80 : vector<16xi32>
      %parallel_loop3A_82 = arith.select %parallel_loop3A_81, %parallel_loop3A_78, %parallel_loop3A_77 : vector<16xi1>, vector<16xf32>
      %parallel_loop3A_83 = arith.constant 0.000000e+00 : f32
      %parallel_loop3A_84 = vector.broadcast %parallel_loop3A_83 : f32 to vector<16xf32>
      %parallel_loop3A_85 = arith.subf %parallel_loop3A_84, %parallel_loop3A_74 : vector<16xf32>
      %parallel_loop3A_86 = arith.minimumf %parallel_loop3A_74, %parallel_loop3A_85 : vector<16xf32>
      %parallel_loop3A_87 = math.exp %parallel_loop3A_86 : vector<16xf32>
      %parallel_loop3A_88 = arith.constant 0.0101190833 : f32
      %parallel_loop3A_89 = vector.broadcast %parallel_loop3A_88 : f32 to vector<16xf32>
      %parallel_loop3A_90 = arith.mulf %parallel_loop3A_89, %parallel_loop3A_87 : vector<16xf32>
      %parallel_loop3A_91 = arith.constant -0.0526248515 : f32
      %parallel_loop3A_92 = vector.broadcast %parallel_loop3A_91 : f32 to vector<16xf32>
      %parallel_loop3A_93 = arith.addf %parallel_loop3A_90, %parallel_loop3A_92 : vector<16xf32>
      %parallel_loop3A_94 = arith.mulf %parallel_loop3A_93, %parallel_loop3A_87 : vector<16xf32>
      %parallel_loop3A_95 = arith.constant 0.130765036 : f32
      %parallel_loop3A_96 = vector.broadcast %parallel_loop3A_95 : f32 to vector<16xf32>
      %parallel_loop3A_97 = arith.addf %parallel_loop3A_94, %parallel_loop3A_96 : vector<16xf32>
      %parallel_loop3A_98 = arith.mulf %parallel_loop3A_97, %parallel_loop3A_87 : vector<16xf32>
      %parallel_loop3A_99 = arith.constant -0.222836256 : f32
      %parallel_loop3A_100 = vector.broadcast %parallel_loop3A_99 : f32 to vector<16xf32>
      %parallel_loop3A_101 = arith.addf %parallel_loop3A_98, %parallel_loop3A_100 : vector<16xf32>
      %parallel_loop3A_102 = arith.mulf %parallel_loop3A_101, %parallel_loop3A_87 : vector<16xf32>
      %parallel_loop3A_103 = arith.constant 0.32697311 : f32
      %parallel_loop3A_104 = vector.broadcast %parallel_loop3A_103 : f32 to vector<16xf32>
      %parallel_loop3A_105 = arith.addf %parallel_loop3A_102, %parallel_loop3A_104 : vector<16xf32>
      %parallel_loop3A_106 = arith.mulf %parallel_loop3A_105, %parallel_loop3A_87 : vector<16xf32>
      %parallel_loop3A_107 = arith.constant -0.499206573 : f32
      %parallel_loop3A_108 = vector.broadcast %parallel_loop3A_107 : f32 to vector<16xf32>
      %parallel_loop3A_109 = arith.addf %parallel_loop3A_106, %parallel_loop3A_108 : vector<16xf32>
      %parallel_loop3A_110 = arith.mulf %parallel_loop3A_109, %parallel_loop3A_87 : vector<16xf32>
      %parallel_loop3A_111 = arith.constant 0.999957501 : f32
      %parallel_loop3A_112 = vector.broadcast %parallel_loop3A_111 : f32 to vector<16xf32>
      %parallel_loop3A_113 = arith.addf %parallel_loop3A_110, %parallel_loop3A_112 : vector<16xf32>
      %parallel_loop3A_114 = arith.mulf %parallel_loop3A_113, %parallel_loop3A_87 : vector<16xf32>
      %parallel_loop3A_115 = arith.constant 5.62195908E-7 : f32
      %parallel_loop3A_116 = vector.broadcast %parallel_loop3A_115 : f32 to vector<16xf32>
      %parallel_loop3A_117 = arith.addf %parallel_loop3A_114, %parallel_loop3A_116 : vector<16xf32>
      %parallel_loop3A_118 = arith.addf %parallel_loop3A_82, %parallel_loop3A_117 : vector<16xf32>
      %parallel_loop3A_119 = arith.constant -1 : i32
      %parallel_loop3A_120 = vector.broadcast %parallel_loop3A_119 : i32 to vector<16xi32>
      %parallel_loop3A_121 = arith.cmpi ne, %parallel_loop3A_67, %parallel_loop3A_120 : vector<16xi32>
      %parallel_loop3A_122 = arith.constant 0.000000e+00 : f32
      %parallel_loop3A_123 = vector.broadcast %parallel_loop3A_122 : f32 to vector<16xf32>
      %parallel_loop3A_124 = arith.select %parallel_loop3A_121, %parallel_loop3A_118, %parallel_loop3A_123 : vector<16xi1>, vector<16xf32>
      %parallel_loop3A_125 = arith.addf %parallel_loop3A_43, %parallel_loop3A_124 : vector<16xf32>
      %parallel_loop3A_126 = arith.constant 1.000000e+00 : f32
      %parallel_loop3A_127 = arith.constant 0.000000e+00 : f32
      %parallel_loop3A_128 = vector.broadcast %parallel_loop3A_126 : f32 to vector<16xf32>
      %parallel_loop3A_129 = vector.broadcast %parallel_loop3A_127 : f32 to vector<16xf32>
      %parallel_loop3A_130 = arith.select %parallel_loop3A_121, %parallel_loop3A_128, %parallel_loop3A_129 : vector<16xi1>, vector<16xf32>
      %parallel_loop3A_131 = arith.addf %parallel_loop3A_51, %parallel_loop3A_130 : vector<16xf32>
      %parallel_loop3A_132 = arith.constant 16 : i32
      %parallel_loop3A_133 = arith.muli %parallel_loop3A_42, %parallel_loop3A_132 : i32
      %parallel_loop3A_134 = arith.constant 1 : i32
      %parallel_loop3A_135 = arith.addi %parallel_loop3A_133, %parallel_loop3A_134 : i32
      %parallel_loop3A_136 = arith.constant 16 : i32
      %parallel_loop3A_137 = arith.muli %parallel_loop3A_135, %parallel_loop3A_136 : i32
      %parallel_loop3A_138 = arith.index_cast %parallel_loop3A_137 : i32 to index
      %parallel_loop3A_139 = tpu.vector_load %arg8[%parallel_loop3A_138] {strides = array<i32>} : memref<4096xi32, #tpu.memory_space<vmem>>, vector<16xi32>,
      %parallel_loop3A_140 = vector.shape_cast %parallel_loop3A_139 : vector<16xi32> to vector<16xi32>
      %parallel_loop3A_141 = arith.index_cast %parallel_loop3A_137 : i32 to index
      %parallel_loop3A_142 = tpu.vector_load %arg6[%parallel_loop3A_141] {strides = array<i32>} : memref<4096xf32, #tpu.memory_space<vmem>>, vector<16xf32>,
      %parallel_loop3A_143 = vector.shape_cast %parallel_loop3A_142 : vector<16xf32> to vector<16xf32>
      %parallel_loop3A_144 = arith.index_cast %parallel_loop3A_137 : i32 to index
      %parallel_loop3A_145 = tpu.vector_load %arg7[%parallel_loop3A_144] {strides = array<i32>} : memref<4096xf32, #tpu.memory_space<vmem>>, vector<16xf32>,
      %parallel_loop3A_146 = vector.shape_cast %parallel_loop3A_145 : vector<16xf32> to vector<16xf32>
      %parallel_loop3A_147 = arith.subf %parallel_loop3A_146, %parallel_loop3A_143 : vector<16xf32>
      %parallel_loop3A_148 = arith.constant 0.000000e+00 : f32
      %parallel_loop3A_149 = vector.broadcast %parallel_loop3A_148 : f32 to vector<16xf32>
      %parallel_loop3A_150 = arith.maximumf %parallel_loop3A_147, %parallel_loop3A_149 : vector<16xf32>
      %parallel_loop3A_151 = arith.subf %parallel_loop3A_150, %parallel_loop3A_147 : vector<16xf32>
      %parallel_loop3A_152 = arith.constant 1 : i32
      %parallel_loop3A_153 = vector.broadcast %parallel_loop3A_152 : i32 to vector<16xi32>
      %parallel_loop3A_154 = arith.cmpi eq, %parallel_loop3A_140, %parallel_loop3A_153 : vector<16xi32>
      %parallel_loop3A_155 = arith.select %parallel_loop3A_154, %parallel_loop3A_151, %parallel_loop3A_150 : vector<16xi1>, vector<16xf32>
      %parallel_loop3A_156 = arith.constant 0.000000e+00 : f32
      %parallel_loop3A_157 = vector.broadcast %parallel_loop3A_156 : f32 to vector<16xf32>
      %parallel_loop3A_158 = arith.subf %parallel_loop3A_157, %parallel_loop3A_147 : vector<16xf32>
      %parallel_loop3A_159 = arith.minimumf %parallel_loop3A_147, %parallel_loop3A_158 : vector<16xf32>
      %parallel_loop3A_160 = math.exp %parallel_loop3A_159 : vector<16xf32>
      %parallel_loop3A_161 = arith.constant 0.0101190833 : f32
      %parallel_loop3A_162 = vector.broadcast %parallel_loop3A_161 : f32 to vector<16xf32>
      %parallel_loop3A_163 = arith.mulf %parallel_loop3A_162, %parallel_loop3A_160 : vector<16xf32>
      %parallel_loop3A_164 = arith.constant -0.0526248515 : f32
      %parallel_loop3A_165 = vector.broadcast %parallel_loop3A_164 : f32 to vector<16xf32>
      %parallel_loop3A_166 = arith.addf %parallel_loop3A_163, %parallel_loop3A_165 : vector<16xf32>
      %parallel_loop3A_167 = arith.mulf %parallel_loop3A_166, %parallel_loop3A_160 : vector<16xf32>
      %parallel_loop3A_168 = arith.constant 0.130765036 : f32
      %parallel_loop3A_169 = vector.broadcast %parallel_loop3A_168 : f32 to vector<16xf32>
      %parallel_loop3A_170 = arith.addf %parallel_loop3A_167, %parallel_loop3A_169 : vector<16xf32>
      %parallel_loop3A_171 = arith.mulf %parallel_loop3A_170, %parallel_loop3A_160 : vector<16xf32>
      %parallel_loop3A_172 = arith.constant -0.222836256 : f32
      %parallel_loop3A_173 = vector.broadcast %parallel_loop3A_172 : f32 to vector<16xf32>
      %parallel_loop3A_174 = arith.addf %parallel_loop3A_171, %parallel_loop3A_173 : vector<16xf32>
      %parallel_loop3A_175 = arith.mulf %parallel_loop3A_174, %parallel_loop3A_160 : vector<16xf32>
      %parallel_loop3A_176 = arith.constant 0.32697311 : f32
      %parallel_loop3A_177 = vector.broadcast %parallel_loop3A_176 : f32 to vector<16xf32>
      %parallel_loop3A_178 = arith.addf %parallel_loop3A_175, %parallel_loop3A_177 : vector<16xf32>
      %parallel_loop3A_179 = arith.mulf %parallel_loop3A_178, %parallel_loop3A_160 : vector<16xf32>
      %parallel_loop3A_180 = arith.constant -0.499206573 : f32
      %parallel_loop3A_181 = vector.broadcast %parallel_loop3A_180 : f32 to vector<16xf32>
      %parallel_loop3A_182 = arith.addf %parallel_loop3A_179, %parallel_loop3A_181 : vector<16xf32>
      %parallel_loop3A_183 = arith.mulf %parallel_loop3A_182, %parallel_loop3A_160 : vector<16xf32>
      %parallel_loop3A_184 = arith.constant 0.999957501 : f32
      %parallel_loop3A_185 = vector.broadcast %parallel_loop3A_184 : f32 to vector<16xf32>
      %parallel_loop3A_186 = arith.addf %parallel_loop3A_183, %parallel_loop3A_185 : vector<16xf32>
      %parallel_loop3A_187 = arith.mulf %parallel_loop3A_186, %parallel_loop3A_160 : vector<16xf32>
      %parallel_loop3A_188 = arith.constant 5.62195908E-7 : f32
      %parallel_loop3A_189 = vector.broadcast %parallel_loop3A_188 : f32 to vector<16xf32>
      %parallel_loop3A_190 = arith.addf %parallel_loop3A_187, %parallel_loop3A_189 : vector<16xf32>
      %parallel_loop3A_191 = arith.addf %parallel_loop3A_155, %parallel_loop3A_190 : vector<16xf32>
      %parallel_loop3A_192 = arith.constant -1 : i32
      %parallel_loop3A_193 = vector.broadcast %parallel_loop3A_192 : i32 to vector<16xi32>
      %parallel_loop3A_194 = arith.cmpi ne, %parallel_loop3A_140, %parallel_loop3A_193 : vector<16xi32>
      %parallel_loop3A_195 = arith.constant 0.000000e+00 : f32
      %parallel_loop3A_196 = vector.broadcast %parallel_loop3A_195 : f32 to vector<16xf32>
      %parallel_loop3A_197 = arith.select %parallel_loop3A_194, %parallel_loop3A_191, %parallel_loop3A_196 : vector<16xi1>, vector<16xf32>
      %parallel_loop3A_198 = arith.addf %parallel_loop3A_44, %parallel_loop3A_197 : vector<16xf32>
      %parallel_loop3A_199 = arith.constant 1.000000e+00 : f32
      %parallel_loop3A_200 = arith.constant 0.000000e+00 : f32
      %parallel_loop3A_201 = vector.broadcast %parallel_loop3A_199 : f32 to vector<16xf32>
      %parallel_loop3A_202 = vector.broadcast %parallel_loop3A_200 : f32 to vector<16xf32>
      %parallel_loop3A_203 = arith.select %parallel_loop3A_194, %parallel_loop3A_201, %parallel_loop3A_202 : vector<16xi1>, vector<16xf32>
      %parallel_loop3A_204 = arith.addf %parallel_loop3A_52, %parallel_loop3A_203 : vector<16xf32>
      %parallel_loop3A_205 = arith.constant 16 : i32
      %parallel_loop3A_206 = arith.muli %parallel_loop3A_42, %parallel_loop3A_205 : i32
      %parallel_loop3A_207 = arith.constant 2 : i32
      %parallel_loop3A_208 = arith.addi %parallel_loop3A_206, %parallel_loop3A_207 : i32
      %parallel_loop3A_209 = arith.constant 16 : i32
      %parallel_loop3A_210 = arith.muli %parallel_loop3A_208, %parallel_loop3A_209 : i32
      %parallel_loop3A_211 = arith.index_cast %parallel_loop3A_210 : i32 to index
      %parallel_loop3A_212 = tpu.vector_load %arg8[%parallel_loop3A_211] {strides = array<i32>} : memref<4096xi32, #tpu.memory_space<vmem>>, vector<16xi32>,
      %parallel_loop3A_213 = vector.shape_cast %parallel_loop3A_212 : vector<16xi32> to vector<16xi32>
      %parallel_loop3A_214 = arith.index_cast %parallel_loop3A_210 : i32 to index
      %parallel_loop3A_215 = tpu.vector_load %arg6[%parallel_loop3A_214] {strides = array<i32>} : memref<4096xf32, #tpu.memory_space<vmem>>, vector<16xf32>,
      %parallel_loop3A_216 = vector.shape_cast %parallel_loop3A_215 : vector<16xf32> to vector<16xf32>
      %parallel_loop3A_217 = arith.index_cast %parallel_loop3A_210 : i32 to index
      %parallel_loop3A_218 = tpu.vector_load %arg7[%parallel_loop3A_217] {strides = array<i32>} : memref<4096xf32, #tpu.memory_space<vmem>>, vector<16xf32>,
      %parallel_loop3A_219 = vector.shape_cast %parallel_loop3A_218 : vector<16xf32> to vector<16xf32>
      %parallel_loop3A_220 = arith.subf %parallel_loop3A_219, %parallel_loop3A_216 : vector<16xf32>
      %parallel_loop3A_221 = arith.constant 0.000000e+00 : f32
      %parallel_loop3A_222 = vector.broadcast %parallel_loop3A_221 : f32 to vector<16xf32>
      %parallel_loop3A_223 = arith.maximumf %parallel_loop3A_220, %parallel_loop3A_222 : vector<16xf32>
      %parallel_loop3A_224 = arith.subf %parallel_loop3A_223, %parallel_loop3A_220 : vector<16xf32>
      %parallel_loop3A_225 = arith.constant 1 : i32
      %parallel_loop3A_226 = vector.broadcast %parallel_loop3A_225 : i32 to vector<16xi32>
      %parallel_loop3A_227 = arith.cmpi eq, %parallel_loop3A_213, %parallel_loop3A_226 : vector<16xi32>
      %parallel_loop3A_228 = arith.select %parallel_loop3A_227, %parallel_loop3A_224, %parallel_loop3A_223 : vector<16xi1>, vector<16xf32>
      %parallel_loop3A_229 = arith.constant 0.000000e+00 : f32
      %parallel_loop3A_230 = vector.broadcast %parallel_loop3A_229 : f32 to vector<16xf32>
      %parallel_loop3A_231 = arith.subf %parallel_loop3A_230, %parallel_loop3A_220 : vector<16xf32>
      %parallel_loop3A_232 = arith.minimumf %parallel_loop3A_220, %parallel_loop3A_231 : vector<16xf32>
      %parallel_loop3A_233 = math.exp %parallel_loop3A_232 : vector<16xf32>
      %parallel_loop3A_234 = arith.constant 0.0101190833 : f32
      %parallel_loop3A_235 = vector.broadcast %parallel_loop3A_234 : f32 to vector<16xf32>
      %parallel_loop3A_236 = arith.mulf %parallel_loop3A_235, %parallel_loop3A_233 : vector<16xf32>
      %parallel_loop3A_237 = arith.constant -0.0526248515 : f32
      %parallel_loop3A_238 = vector.broadcast %parallel_loop3A_237 : f32 to vector<16xf32>
      %parallel_loop3A_239 = arith.addf %parallel_loop3A_236, %parallel_loop3A_238 : vector<16xf32>
      %parallel_loop3A_240 = arith.mulf %parallel_loop3A_239, %parallel_loop3A_233 : vector<16xf32>
      %parallel_loop3A_241 = arith.constant 0.130765036 : f32
      %parallel_loop3A_242 = vector.broadcast %parallel_loop3A_241 : f32 to vector<16xf32>
      %parallel_loop3A_243 = arith.addf %parallel_loop3A_240, %parallel_loop3A_242 : vector<16xf32>
      %parallel_loop3A_244 = arith.mulf %parallel_loop3A_243, %parallel_loop3A_233 : vector<16xf32>
      %parallel_loop3A_245 = arith.constant -0.222836256 : f32
      %parallel_loop3A_246 = vector.broadcast %parallel_loop3A_245 : f32 to vector<16xf32>
      %parallel_loop3A_247 = arith.addf %parallel_loop3A_244, %parallel_loop3A_246 : vector<16xf32>
      %parallel_loop3A_248 = arith.mulf %parallel_loop3A_247, %parallel_loop3A_233 : vector<16xf32>
      %parallel_loop3A_249 = arith.constant 0.32697311 : f32
      %parallel_loop3A_250 = vector.broadcast %parallel_loop3A_249 : f32 to vector<16xf32>
      %parallel_loop3A_251 = arith.addf %parallel_loop3A_248, %parallel_loop3A_250 : vector<16xf32>
      %parallel_loop3A_252 = arith.mulf %parallel_loop3A_251, %parallel_loop3A_233 : vector<16xf32>
      %parallel_loop3A_253 = arith.constant -0.499206573 : f32
      %parallel_loop3A_254 = vector.broadcast %parallel_loop3A_253 : f32 to vector<16xf32>
      %parallel_loop3A_255 = arith.addf %parallel_loop3A_252, %parallel_loop3A_254 : vector<16xf32>
      %parallel_loop3A_256 = arith.mulf %parallel_loop3A_255, %parallel_loop3A_233 : vector<16xf32>
      %parallel_loop3A_257 = arith.constant 0.999957501 : f32
      %parallel_loop3A_258 = vector.broadcast %parallel_loop3A_257 : f32 to vector<16xf32>
      %parallel_loop3A_259 = arith.addf %parallel_loop3A_256, %parallel_loop3A_258 : vector<16xf32>
      %parallel_loop3A_260 = arith.mulf %parallel_loop3A_259, %parallel_loop3A_233 : vector<16xf32>
      %parallel_loop3A_261 = arith.constant 5.62195908E-7 : f32
      %parallel_loop3A_262 = vector.broadcast %parallel_loop3A_261 : f32 to vector<16xf32>
      %parallel_loop3A_263 = arith.addf %parallel_loop3A_260, %parallel_loop3A_262 : vector<16xf32>
      %parallel_loop3A_264 = arith.addf %parallel_loop3A_228, %parallel_loop3A_263 : vector<16xf32>
      %parallel_loop3A_265 = arith.constant -1 : i32
      %parallel_loop3A_266 = vector.broadcast %parallel_loop3A_265 : i32 to vector<16xi32>
      %parallel_loop3A_267 = arith.cmpi ne, %parallel_loop3A_213, %parallel_loop3A_266 : vector<16xi32>
      %parallel_loop3A_268 = arith.constant 0.000000e+00 : f32
      %parallel_loop3A_269 = vector.broadcast %parallel_loop3A_268 : f32 to vector<16xf32>
      %parallel_loop3A_270 = arith.select %parallel_loop3A_267, %parallel_loop3A_264, %parallel_loop3A_269 : vector<16xi1>, vector<16xf32>
      %parallel_loop3A_271 = arith.addf %parallel_loop3A_45, %parallel_loop3A_270 : vector<16xf32>
      %parallel_loop3A_272 = arith.constant 1.000000e+00 : f32
      %parallel_loop3A_273 = arith.constant 0.000000e+00 : f32
      %parallel_loop3A_274 = vector.broadcast %parallel_loop3A_272 : f32 to vector<16xf32>
      %parallel_loop3A_275 = vector.broadcast %parallel_loop3A_273 : f32 to vector<16xf32>
      %parallel_loop3A_276 = arith.select %parallel_loop3A_267, %parallel_loop3A_274, %parallel_loop3A_275 : vector<16xi1>, vector<16xf32>
      %parallel_loop3A_277 = arith.addf %parallel_loop3A_53, %parallel_loop3A_276 : vector<16xf32>
      %parallel_loop3A_278 = arith.constant 16 : i32
      %parallel_loop3A_279 = arith.muli %parallel_loop3A_42, %parallel_loop3A_278 : i32
      %parallel_loop3A_280 = arith.constant 3 : i32
      %parallel_loop3A_281 = arith.addi %parallel_loop3A_279, %parallel_loop3A_280 : i32
      %parallel_loop3A_282 = arith.constant 16 : i32
      %parallel_loop3A_283 = arith.muli %parallel_loop3A_281, %parallel_loop3A_282 : i32
      %parallel_loop3A_284 = arith.index_cast %parallel_loop3A_283 : i32 to index
      %parallel_loop3A_285 = tpu.vector_load %arg8[%parallel_loop3A_284] {strides = array<i32>} : memref<4096xi32, #tpu.memory_space<vmem>>, vector<16xi32>,
      %parallel_loop3A_286 = vector.shape_cast %parallel_loop3A_285 : vector<16xi32> to vector<16xi32>
      %parallel_loop3A_287 = arith.index_cast %parallel_loop3A_283 : i32 to index
      %parallel_loop3A_288 = tpu.vector_load %arg6[%parallel_loop3A_287] {strides = array<i32>} : memref<4096xf32, #tpu.memory_space<vmem>>, vector<16xf32>,
      %parallel_loop3A_289 = vector.shape_cast %parallel_loop3A_288 : vector<16xf32> to vector<16xf32>
      %parallel_loop3A_290 = arith.index_cast %parallel_loop3A_283 : i32 to index
      %parallel_loop3A_291 = tpu.vector_load %arg7[%parallel_loop3A_290] {strides = array<i32>} : memref<4096xf32, #tpu.memory_space<vmem>>, vector<16xf32>,
      %parallel_loop3A_292 = vector.shape_cast %parallel_loop3A_291 : vector<16xf32> to vector<16xf32>
      %parallel_loop3A_293 = arith.subf %parallel_loop3A_292, %parallel_loop3A_289 : vector<16xf32>
      %parallel_loop3A_294 = arith.constant 0.000000e+00 : f32
      %parallel_loop3A_295 = vector.broadcast %parallel_loop3A_294 : f32 to vector<16xf32>
      %parallel_loop3A_296 = arith.maximumf %parallel_loop3A_293, %parallel_loop3A_295 : vector<16xf32>
      %parallel_loop3A_297 = arith.subf %parallel_loop3A_296, %parallel_loop3A_293 : vector<16xf32>
      %parallel_loop3A_298 = arith.constant 1 : i32
      %parallel_loop3A_299 = vector.broadcast %parallel_loop3A_298 : i32 to vector<16xi32>
      %parallel_loop3A_300 = arith.cmpi eq, %parallel_loop3A_286, %parallel_loop3A_299 : vector<16xi32>
      %parallel_loop3A_301 = arith.select %parallel_loop3A_300, %parallel_loop3A_297, %parallel_loop3A_296 : vector<16xi1>, vector<16xf32>
      %parallel_loop3A_302 = arith.constant 0.000000e+00 : f32
      %parallel_loop3A_303 = vector.broadcast %parallel_loop3A_302 : f32 to vector<16xf32>
      %parallel_loop3A_304 = arith.subf %parallel_loop3A_303, %parallel_loop3A_293 : vector<16xf32>
      %parallel_loop3A_305 = arith.minimumf %parallel_loop3A_293, %parallel_loop3A_304 : vector<16xf32>
      %parallel_loop3A_306 = math.exp %parallel_loop3A_305 : vector<16xf32>
      %parallel_loop3A_307 = arith.constant 0.0101190833 : f32
      %parallel_loop3A_308 = vector.broadcast %parallel_loop3A_307 : f32 to vector<16xf32>
      %parallel_loop3A_309 = arith.mulf %parallel_loop3A_308, %parallel_loop3A_306 : vector<16xf32>
      %parallel_loop3A_310 = arith.constant -0.0526248515 : f32
      %parallel_loop3A_311 = vector.broadcast %parallel_loop3A_310 : f32 to vector<16xf32>
      %parallel_loop3A_312 = arith.addf %parallel_loop3A_309, %parallel_loop3A_311 : vector<16xf32>
      %parallel_loop3A_313 = arith.mulf %parallel_loop3A_312, %parallel_loop3A_306 : vector<16xf32>
      %parallel_loop3A_314 = arith.constant 0.130765036 : f32
      %parallel_loop3A_315 = vector.broadcast %parallel_loop3A_314 : f32 to vector<16xf32>
      %parallel_loop3A_316 = arith.addf %parallel_loop3A_313, %parallel_loop3A_315 : vector<16xf32>
      %parallel_loop3A_317 = arith.mulf %parallel_loop3A_316, %parallel_loop3A_306 : vector<16xf32>
      %parallel_loop3A_318 = arith.constant -0.222836256 : f32
      %parallel_loop3A_319 = vector.broadcast %parallel_loop3A_318 : f32 to vector<16xf32>
      %parallel_loop3A_320 = arith.addf %parallel_loop3A_317, %parallel_loop3A_319 : vector<16xf32>
      %parallel_loop3A_321 = arith.mulf %parallel_loop3A_320, %parallel_loop3A_306 : vector<16xf32>
      %parallel_loop3A_322 = arith.constant 0.32697311 : f32
      %parallel_loop3A_323 = vector.broadcast %parallel_loop3A_322 : f32 to vector<16xf32>
      %parallel_loop3A_324 = arith.addf %parallel_loop3A_321, %parallel_loop3A_323 : vector<16xf32>
      %parallel_loop3A_325 = arith.mulf %parallel_loop3A_324, %parallel_loop3A_306 : vector<16xf32>
      %parallel_loop3A_326 = arith.constant -0.499206573 : f32
      %parallel_loop3A_327 = vector.broadcast %parallel_loop3A_326 : f32 to vector<16xf32>
      %parallel_loop3A_328 = arith.addf %parallel_loop3A_325, %parallel_loop3A_327 : vector<16xf32>
      %parallel_loop3A_329 = arith.mulf %parallel_loop3A_328, %parallel_loop3A_306 : vector<16xf32>
      %parallel_loop3A_330 = arith.constant 0.999957501 : f32
      %parallel_loop3A_331 = vector.broadcast %parallel_loop3A_330 : f32 to vector<16xf32>
      %parallel_loop3A_332 = arith.addf %parallel_loop3A_329, %parallel_loop3A_331 : vector<16xf32>
      %parallel_loop3A_333 = arith.mulf %parallel_loop3A_332, %parallel_loop3A_306 : vector<16xf32>
      %parallel_loop3A_334 = arith.constant 5.62195908E-7 : f32
      %parallel_loop3A_335 = vector.broadcast %parallel_loop3A_334 : f32 to vector<16xf32>
      %parallel_loop3A_336 = arith.addf %parallel_loop3A_333, %parallel_loop3A_335 : vector<16xf32>
      %parallel_loop3A_337 = arith.addf %parallel_loop3A_301, %parallel_loop3A_336 : vector<16xf32>
      %parallel_loop3A_338 = arith.constant -1 : i32
      %parallel_loop3A_339 = vector.broadcast %parallel_loop3A_338 : i32 to vector<16xi32>
      %parallel_loop3A_340 = arith.cmpi ne, %parallel_loop3A_286, %parallel_loop3A_339 : vector<16xi32>
      %parallel_loop3A_341 = arith.constant 0.000000e+00 : f32
      %parallel_loop3A_342 = vector.broadcast %parallel_loop3A_341 : f32 to vector<16xf32>
      %parallel_loop3A_343 = arith.select %parallel_loop3A_340, %parallel_loop3A_337, %parallel_loop3A_342 : vector<16xi1>, vector<16xf32>
      %parallel_loop3A_344 = arith.addf %parallel_loop3A_46, %parallel_loop3A_343 : vector<16xf32>
      %parallel_loop3A_345 = arith.constant 1.000000e+00 : f32
      %parallel_loop3A_346 = arith.constant 0.000000e+00 : f32
      %parallel_loop3A_347 = vector.broadcast %parallel_loop3A_345 : f32 to vector<16xf32>
      %parallel_loop3A_348 = vector.broadcast %parallel_loop3A_346 : f32 to vector<16xf32>
      %parallel_loop3A_349 = arith.select %parallel_loop3A_340, %parallel_loop3A_347, %parallel_loop3A_348 : vector<16xi1>, vector<16xf32>
      %parallel_loop3A_350 = arith.addf %parallel_loop3A_54, %parallel_loop3A_349 : vector<16xf32>
      %parallel_loop3A_351 = arith.constant 16 : i32
      %parallel_loop3A_352 = arith.muli %parallel_loop3A_42, %parallel_loop3A_351 : i32
      %parallel_loop3A_353 = arith.constant 4 : i32
      %parallel_loop3A_354 = arith.addi %parallel_loop3A_352, %parallel_loop3A_353 : i32
      %parallel_loop3A_355 = arith.constant 16 : i32
      %parallel_loop3A_356 = arith.muli %parallel_loop3A_354, %parallel_loop3A_355 : i32
      %parallel_loop3A_357 = arith.index_cast %parallel_loop3A_356 : i32 to index
      %parallel_loop3A_358 = tpu.vector_load %arg8[%parallel_loop3A_357] {strides = array<i32>} : memref<4096xi32, #tpu.memory_space<vmem>>, vector<16xi32>,
      %parallel_loop3A_359 = vector.shape_cast %parallel_loop3A_358 : vector<16xi32> to vector<16xi32>
      %parallel_loop3A_360 = arith.index_cast %parallel_loop3A_356 : i32 to index
      %parallel_loop3A_361 = tpu.vector_load %arg6[%parallel_loop3A_360] {strides = array<i32>} : memref<4096xf32, #tpu.memory_space<vmem>>, vector<16xf32>,
      %parallel_loop3A_362 = vector.shape_cast %parallel_loop3A_361 : vector<16xf32> to vector<16xf32>
      %parallel_loop3A_363 = arith.index_cast %parallel_loop3A_356 : i32 to index
      %parallel_loop3A_364 = tpu.vector_load %arg7[%parallel_loop3A_363] {strides = array<i32>} : memref<4096xf32, #tpu.memory_space<vmem>>, vector<16xf32>,
      %parallel_loop3A_365 = vector.shape_cast %parallel_loop3A_364 : vector<16xf32> to vector<16xf32>
      %parallel_loop3A_366 = arith.subf %parallel_loop3A_365, %parallel_loop3A_362 : vector<16xf32>
      %parallel_loop3A_367 = arith.constant 0.000000e+00 : f32
      %parallel_loop3A_368 = vector.broadcast %parallel_loop3A_367 : f32 to vector<16xf32>
      %parallel_loop3A_369 = arith.maximumf %parallel_loop3A_366, %parallel_loop3A_368 : vector<16xf32>
      %parallel_loop3A_370 = arith.subf %parallel_loop3A_369, %parallel_loop3A_366 : vector<16xf32>
      %parallel_loop3A_371 = arith.constant 1 : i32
      %parallel_loop3A_372 = vector.broadcast %parallel_loop3A_371 : i32 to vector<16xi32>
      %parallel_loop3A_373 = arith.cmpi eq, %parallel_loop3A_359, %parallel_loop3A_372 : vector<16xi32>
      %parallel_loop3A_374 = arith.select %parallel_loop3A_373, %parallel_loop3A_370, %parallel_loop3A_369 : vector<16xi1>, vector<16xf32>
      %parallel_loop3A_375 = arith.constant 0.000000e+00 : f32
      %parallel_loop3A_376 = vector.broadcast %parallel_loop3A_375 : f32 to vector<16xf32>
      %parallel_loop3A_377 = arith.subf %parallel_loop3A_376, %parallel_loop3A_366 : vector<16xf32>
      %parallel_loop3A_378 = arith.minimumf %parallel_loop3A_366, %parallel_loop3A_377 : vector<16xf32>
      %parallel_loop3A_379 = math.exp %parallel_loop3A_378 : vector<16xf32>
      %parallel_loop3A_380 = arith.constant 0.0101190833 : f32
      %parallel_loop3A_381 = vector.broadcast %parallel_loop3A_380 : f32 to vector<16xf32>
      %parallel_loop3A_382 = arith.mulf %parallel_loop3A_381, %parallel_loop3A_379 : vector<16xf32>
      %parallel_loop3A_383 = arith.constant -0.0526248515 : f32
      %parallel_loop3A_384 = vector.broadcast %parallel_loop3A_383 : f32 to vector<16xf32>
      %parallel_loop3A_385 = arith.addf %parallel_loop3A_382, %parallel_loop3A_384 : vector<16xf32>
      %parallel_loop3A_386 = arith.mulf %parallel_loop3A_385, %parallel_loop3A_379 : vector<16xf32>
      %parallel_loop3A_387 = arith.constant 0.130765036 : f32
      %parallel_loop3A_388 = vector.broadcast %parallel_loop3A_387 : f32 to vector<16xf32>
      %parallel_loop3A_389 = arith.addf %parallel_loop3A_386, %parallel_loop3A_388 : vector<16xf32>
      %parallel_loop3A_390 = arith.mulf %parallel_loop3A_389, %parallel_loop3A_379 : vector<16xf32>
      %parallel_loop3A_391 = arith.constant -0.222836256 : f32
      %parallel_loop3A_392 = vector.broadcast %parallel_loop3A_391 : f32 to vector<16xf32>
      %parallel_loop3A_393 = arith.addf %parallel_loop3A_390, %parallel_loop3A_392 : vector<16xf32>
      %parallel_loop3A_394 = arith.mulf %parallel_loop3A_393, %parallel_loop3A_379 : vector<16xf32>
      %parallel_loop3A_395 = arith.constant 0.32697311 : f32
      %parallel_loop3A_396 = vector.broadcast %parallel_loop3A_395 : f32 to vector<16xf32>
      %parallel_loop3A_397 = arith.addf %parallel_loop3A_394, %parallel_loop3A_396 : vector<16xf32>
      %parallel_loop3A_398 = arith.mulf %parallel_loop3A_397, %parallel_loop3A_379 : vector<16xf32>
      %parallel_loop3A_399 = arith.constant -0.499206573 : f32
      %parallel_loop3A_400 = vector.broadcast %parallel_loop3A_399 : f32 to vector<16xf32>
      %parallel_loop3A_401 = arith.addf %parallel_loop3A_398, %parallel_loop3A_400 : vector<16xf32>
      %parallel_loop3A_402 = arith.mulf %parallel_loop3A_401, %parallel_loop3A_379 : vector<16xf32>
      %parallel_loop3A_403 = arith.constant 0.999957501 : f32
      %parallel_loop3A_404 = vector.broadcast %parallel_loop3A_403 : f32 to vector<16xf32>
      %parallel_loop3A_405 = arith.addf %parallel_loop3A_402, %parallel_loop3A_404 : vector<16xf32>
      %parallel_loop3A_406 = arith.mulf %parallel_loop3A_405, %parallel_loop3A_379 : vector<16xf32>
      %parallel_loop3A_407 = arith.constant 5.62195908E-7 : f32
      %parallel_loop3A_408 = vector.broadcast %parallel_loop3A_407 : f32 to vector<16xf32>
      %parallel_loop3A_409 = arith.addf %parallel_loop3A_406, %parallel_loop3A_408 : vector<16xf32>
      %parallel_loop3A_410 = arith.addf %parallel_loop3A_374, %parallel_loop3A_409 : vector<16xf32>
      %parallel_loop3A_411 = arith.constant -1 : i32
      %parallel_loop3A_412 = vector.broadcast %parallel_loop3A_411 : i32 to vector<16xi32>
      %parallel_loop3A_413 = arith.cmpi ne, %parallel_loop3A_359, %parallel_loop3A_412 : vector<16xi32>
      %parallel_loop3A_414 = arith.constant 0.000000e+00 : f32
      %parallel_loop3A_415 = vector.broadcast %parallel_loop3A_414 : f32 to vector<16xf32>
      %parallel_loop3A_416 = arith.select %parallel_loop3A_413, %parallel_loop3A_410, %parallel_loop3A_415 : vector<16xi1>, vector<16xf32>
      %parallel_loop3A_417 = arith.addf %parallel_loop3A_47, %parallel_loop3A_416 : vector<16xf32>
      %parallel_loop3A_418 = arith.constant 1.000000e+00 : f32
      %parallel_loop3A_419 = arith.constant 0.000000e+00 : f32
      %parallel_loop3A_420 = vector.broadcast %parallel_loop3A_418 : f32 to vector<16xf32>
      %parallel_loop3A_421 = vector.broadcast %parallel_loop3A_419 : f32 to vector<16xf32>
      %parallel_loop3A_422 = arith.select %parallel_loop3A_413, %parallel_loop3A_420, %parallel_loop3A_421 : vector<16xi1>, vector<16xf32>
      %parallel_loop3A_423 = arith.addf %parallel_loop3A_55, %parallel_loop3A_422 : vector<16xf32>
      %parallel_loop3A_424 = arith.constant 16 : i32
      %parallel_loop3A_425 = arith.muli %parallel_loop3A_42, %parallel_loop3A_424 : i32
      %parallel_loop3A_426 = arith.constant 5 : i32
      %parallel_loop3A_427 = arith.addi %parallel_loop3A_425, %parallel_loop3A_426 : i32
      %parallel_loop3A_428 = arith.constant 16 : i32
      %parallel_loop3A_429 = arith.muli %parallel_loop3A_427, %parallel_loop3A_428 : i32
      %parallel_loop3A_430 = arith.index_cast %parallel_loop3A_429 : i32 to index
      %parallel_loop3A_431 = tpu.vector_load %arg8[%parallel_loop3A_430] {strides = array<i32>} : memref<4096xi32, #tpu.memory_space<vmem>>, vector<16xi32>,
      %parallel_loop3A_432 = vector.shape_cast %parallel_loop3A_431 : vector<16xi32> to vector<16xi32>
      %parallel_loop3A_433 = arith.index_cast %parallel_loop3A_429 : i32 to index
      %parallel_loop3A_434 = tpu.vector_load %arg6[%parallel_loop3A_433] {strides = array<i32>} : memref<4096xf32, #tpu.memory_space<vmem>>, vector<16xf32>,
      %parallel_loop3A_435 = vector.shape_cast %parallel_loop3A_434 : vector<16xf32> to vector<16xf32>
      %parallel_loop3A_436 = arith.index_cast %parallel_loop3A_429 : i32 to index
      %parallel_loop3A_437 = tpu.vector_load %arg7[%parallel_loop3A_436] {strides = array<i32>} : memref<4096xf32, #tpu.memory_space<vmem>>, vector<16xf32>,
      %parallel_loop3A_438 = vector.shape_cast %parallel_loop3A_437 : vector<16xf32> to vector<16xf32>
      %parallel_loop3A_439 = arith.subf %parallel_loop3A_438, %parallel_loop3A_435 : vector<16xf32>
      %parallel_loop3A_440 = arith.constant 0.000000e+00 : f32
      %parallel_loop3A_441 = vector.broadcast %parallel_loop3A_440 : f32 to vector<16xf32>
      %parallel_loop3A_442 = arith.maximumf %parallel_loop3A_439, %parallel_loop3A_441 : vector<16xf32>
      %parallel_loop3A_443 = arith.subf %parallel_loop3A_442, %parallel_loop3A_439 : vector<16xf32>
      %parallel_loop3A_444 = arith.constant 1 : i32
      %parallel_loop3A_445 = vector.broadcast %parallel_loop3A_444 : i32 to vector<16xi32>
      %parallel_loop3A_446 = arith.cmpi eq, %parallel_loop3A_432, %parallel_loop3A_445 : vector<16xi32>
      %parallel_loop3A_447 = arith.select %parallel_loop3A_446, %parallel_loop3A_443, %parallel_loop3A_442 : vector<16xi1>, vector<16xf32>
      %parallel_loop3A_448 = arith.constant 0.000000e+00 : f32
      %parallel_loop3A_449 = vector.broadcast %parallel_loop3A_448 : f32 to vector<16xf32>
      %parallel_loop3A_450 = arith.subf %parallel_loop3A_449, %parallel_loop3A_439 : vector<16xf32>
      %parallel_loop3A_451 = arith.minimumf %parallel_loop3A_439, %parallel_loop3A_450 : vector<16xf32>
      %parallel_loop3A_452 = math.exp %parallel_loop3A_451 : vector<16xf32>
      %parallel_loop3A_453 = arith.constant 0.0101190833 : f32
      %parallel_loop3A_454 = vector.broadcast %parallel_loop3A_453 : f32 to vector<16xf32>
      %parallel_loop3A_455 = arith.mulf %parallel_loop3A_454, %parallel_loop3A_452 : vector<16xf32>
      %parallel_loop3A_456 = arith.constant -0.0526248515 : f32
      %parallel_loop3A_457 = vector.broadcast %parallel_loop3A_456 : f32 to vector<16xf32>
      %parallel_loop3A_458 = arith.addf %parallel_loop3A_455, %parallel_loop3A_457 : vector<16xf32>
      %parallel_loop3A_459 = arith.mulf %parallel_loop3A_458, %parallel_loop3A_452 : vector<16xf32>
      %parallel_loop3A_460 = arith.constant 0.130765036 : f32
      %parallel_loop3A_461 = vector.broadcast %parallel_loop3A_460 : f32 to vector<16xf32>
      %parallel_loop3A_462 = arith.addf %parallel_loop3A_459, %parallel_loop3A_461 : vector<16xf32>
      %parallel_loop3A_463 = arith.mulf %parallel_loop3A_462, %parallel_loop3A_452 : vector<16xf32>
      %parallel_loop3A_464 = arith.constant -0.222836256 : f32
      %parallel_loop3A_465 = vector.broadcast %parallel_loop3A_464 : f32 to vector<16xf32>
      %parallel_loop3A_466 = arith.addf %parallel_loop3A_463, %parallel_loop3A_465 : vector<16xf32>
      %parallel_loop3A_467 = arith.mulf %parallel_loop3A_466, %parallel_loop3A_452 : vector<16xf32>
      %parallel_loop3A_468 = arith.constant 0.32697311 : f32
      %parallel_loop3A_469 = vector.broadcast %parallel_loop3A_468 : f32 to vector<16xf32>
      %parallel_loop3A_470 = arith.addf %parallel_loop3A_467, %parallel_loop3A_469 : vector<16xf32>
      %parallel_loop3A_471 = arith.mulf %parallel_loop3A_470, %parallel_loop3A_452 : vector<16xf32>
      %parallel_loop3A_472 = arith.constant -0.499206573 : f32
      %parallel_loop3A_473 = vector.broadcast %parallel_loop3A_472 : f32 to vector<16xf32>
      %parallel_loop3A_474 = arith.addf %parallel_loop3A_471, %parallel_loop3A_473 : vector<16xf32>
      %parallel_loop3A_475 = arith.mulf %parallel_loop3A_474, %parallel_loop3A_452 : vector<16xf32>
      %parallel_loop3A_476 = arith.constant 0.999957501 : f32
      %parallel_loop3A_477 = vector.broadcast %parallel_loop3A_476 : f32 to vector<16xf32>
      %parallel_loop3A_478 = arith.addf %parallel_loop3A_475, %parallel_loop3A_477 : vector<16xf32>
      %parallel_loop3A_479 = arith.mulf %parallel_loop3A_478, %parallel_loop3A_452 : vector<16xf32>
      %parallel_loop3A_480 = arith.constant 5.62195908E-7 : f32
      %parallel_loop3A_481 = vector.broadcast %parallel_loop3A_480 : f32 to vector<16xf32>
      %parallel_loop3A_482 = arith.addf %parallel_loop3A_479, %parallel_loop3A_481 : vector<16xf32>
      %parallel_loop3A_483 = arith.addf %parallel_loop3A_447, %parallel_loop3A_482 : vector<16xf32>
      %parallel_loop3A_484 = arith.constant -1 : i32
      %parallel_loop3A_485 = vector.broadcast %parallel_loop3A_484 : i32 to vector<16xi32>
      %parallel_loop3A_486 = arith.cmpi ne, %parallel_loop3A_432, %parallel_loop3A_485 : vector<16xi32>
      %parallel_loop3A_487 = arith.constant 0.000000e+00 : f32
      %parallel_loop3A_488 = vector.broadcast %parallel_loop3A_487 : f32 to vector<16xf32>
      %parallel_loop3A_489 = arith.select %parallel_loop3A_486, %parallel_loop3A_483, %parallel_loop3A_488 : vector<16xi1>, vector<16xf32>
      %parallel_loop3A_490 = arith.addf %parallel_loop3A_48, %parallel_loop3A_489 : vector<16xf32>
      %parallel_loop3A_491 = arith.constant 1.000000e+00 : f32
      %parallel_loop3A_492 = arith.constant 0.000000e+00 : f32
      %parallel_loop3A_493 = vector.broadcast %parallel_loop3A_491 : f32 to vector<16xf32>
      %parallel_loop3A_494 = vector.broadcast %parallel_loop3A_492 : f32 to vector<16xf32>
      %parallel_loop3A_495 = arith.select %parallel_loop3A_486, %parallel_loop3A_493, %parallel_loop3A_494 : vector<16xi1>, vector<16xf32>
      %parallel_loop3A_496 = arith.addf %parallel_loop3A_56, %parallel_loop3A_495 : vector<16xf32>
      %parallel_loop3A_497 = arith.constant 16 : i32
      %parallel_loop3A_498 = arith.muli %parallel_loop3A_42, %parallel_loop3A_497 : i32
      %parallel_loop3A_499 = arith.constant 6 : i32
      %parallel_loop3A_500 = arith.addi %parallel_loop3A_498, %parallel_loop3A_499 : i32
      %parallel_loop3A_501 = arith.constant 16 : i32
      %parallel_loop3A_502 = arith.muli %parallel_loop3A_500, %parallel_loop3A_501 : i32
      %parallel_loop3A_503 = arith.index_cast %parallel_loop3A_502 : i32 to index
      %parallel_loop3A_504 = tpu.vector_load %arg8[%parallel_loop3A_503] {strides = array<i32>} : memref<4096xi32, #tpu.memory_space<vmem>>, vector<16xi32>,
      %parallel_loop3A_505 = vector.shape_cast %parallel_loop3A_504 : vector<16xi32> to vector<16xi32>
      %parallel_loop3A_506 = arith.index_cast %parallel_loop3A_502 : i32 to index
      %parallel_loop3A_507 = tpu.vector_load %arg6[%parallel_loop3A_506] {strides = array<i32>} : memref<4096xf32, #tpu.memory_space<vmem>>, vector<16xf32>,
      %parallel_loop3A_508 = vector.shape_cast %parallel_loop3A_507 : vector<16xf32> to vector<16xf32>
      %parallel_loop3A_509 = arith.index_cast %parallel_loop3A_502 : i32 to index
      %parallel_loop3A_510 = tpu.vector_load %arg7[%parallel_loop3A_509] {strides = array<i32>} : memref<4096xf32, #tpu.memory_space<vmem>>, vector<16xf32>,
      %parallel_loop3A_511 = vector.shape_cast %parallel_loop3A_510 : vector<16xf32> to vector<16xf32>
      %parallel_loop3A_512 = arith.subf %parallel_loop3A_511, %parallel_loop3A_508 : vector<16xf32>
      %parallel_loop3A_513 = arith.constant 0.000000e+00 : f32
      %parallel_loop3A_514 = vector.broadcast %parallel_loop3A_513 : f32 to vector<16xf32>
      %parallel_loop3A_515 = arith.maximumf %parallel_loop3A_512, %parallel_loop3A_514 : vector<16xf32>
      %parallel_loop3A_516 = arith.subf %parallel_loop3A_515, %parallel_loop3A_512 : vector<16xf32>
      %parallel_loop3A_517 = arith.constant 1 : i32
      %parallel_loop3A_518 = vector.broadcast %parallel_loop3A_517 : i32 to vector<16xi32>
      %parallel_loop3A_519 = arith.cmpi eq, %parallel_loop3A_505, %parallel_loop3A_518 : vector<16xi32>
      %parallel_loop3A_520 = arith.select %parallel_loop3A_519, %parallel_loop3A_516, %parallel_loop3A_515 : vector<16xi1>, vector<16xf32>
      %parallel_loop3A_521 = arith.constant 0.000000e+00 : f32
      %parallel_loop3A_522 = vector.broadcast %parallel_loop3A_521 : f32 to vector<16xf32>
      %parallel_loop3A_523 = arith.subf %parallel_loop3A_522, %parallel_loop3A_512 : vector<16xf32>
      %parallel_loop3A_524 = arith.minimumf %parallel_loop3A_512, %parallel_loop3A_523 : vector<16xf32>
      %parallel_loop3A_525 = math.exp %parallel_loop3A_524 : vector<16xf32>
      %parallel_loop3A_526 = arith.constant 0.0101190833 : f32
      %parallel_loop3A_527 = vector.broadcast %parallel_loop3A_526 : f32 to vector<16xf32>
      %parallel_loop3A_528 = arith.mulf %parallel_loop3A_527, %parallel_loop3A_525 : vector<16xf32>
      %parallel_loop3A_529 = arith.constant -0.0526248515 : f32
      %parallel_loop3A_530 = vector.broadcast %parallel_loop3A_529 : f32 to vector<16xf32>
      %parallel_loop3A_531 = arith.addf %parallel_loop3A_528, %parallel_loop3A_530 : vector<16xf32>
      %parallel_loop3A_532 = arith.mulf %parallel_loop3A_531, %parallel_loop3A_525 : vector<16xf32>
      %parallel_loop3A_533 = arith.constant 0.130765036 : f32
      %parallel_loop3A_534 = vector.broadcast %parallel_loop3A_533 : f32 to vector<16xf32>
      %parallel_loop3A_535 = arith.addf %parallel_loop3A_532, %parallel_loop3A_534 : vector<16xf32>
      %parallel_loop3A_536 = arith.mulf %parallel_loop3A_535, %parallel_loop3A_525 : vector<16xf32>
      %parallel_loop3A_537 = arith.constant -0.222836256 : f32
      %parallel_loop3A_538 = vector.broadcast %parallel_loop3A_537 : f32 to vector<16xf32>
      %parallel_loop3A_539 = arith.addf %parallel_loop3A_536, %parallel_loop3A_538 : vector<16xf32>
      %parallel_loop3A_540 = arith.mulf %parallel_loop3A_539, %parallel_loop3A_525 : vector<16xf32>
      %parallel_loop3A_541 = arith.constant 0.32697311 : f32
      %parallel_loop3A_542 = vector.broadcast %parallel_loop3A_541 : f32 to vector<16xf32>
      %parallel_loop3A_543 = arith.addf %parallel_loop3A_540, %parallel_loop3A_542 : vector<16xf32>
      %parallel_loop3A_544 = arith.mulf %parallel_loop3A_543, %parallel_loop3A_525 : vector<16xf32>
      %parallel_loop3A_545 = arith.constant -0.499206573 : f32
      %parallel_loop3A_546 = vector.broadcast %parallel_loop3A_545 : f32 to vector<16xf32>
      %parallel_loop3A_547 = arith.addf %parallel_loop3A_544, %parallel_loop3A_546 : vector<16xf32>
      %parallel_loop3A_548 = arith.mulf %parallel_loop3A_547, %parallel_loop3A_525 : vector<16xf32>
      %parallel_loop3A_549 = arith.constant 0.999957501 : f32
      %parallel_loop3A_550 = vector.broadcast %parallel_loop3A_549 : f32 to vector<16xf32>
      %parallel_loop3A_551 = arith.addf %parallel_loop3A_548, %parallel_loop3A_550 : vector<16xf32>
      %parallel_loop3A_552 = arith.mulf %parallel_loop3A_551, %parallel_loop3A_525 : vector<16xf32>
      %parallel_loop3A_553 = arith.constant 5.62195908E-7 : f32
      %parallel_loop3A_554 = vector.broadcast %parallel_loop3A_553 : f32 to vector<16xf32>
      %parallel_loop3A_555 = arith.addf %parallel_loop3A_552, %parallel_loop3A_554 : vector<16xf32>
      %parallel_loop3A_556 = arith.addf %parallel_loop3A_520, %parallel_loop3A_555 : vector<16xf32>
      %parallel_loop3A_557 = arith.constant -1 : i32
      %parallel_loop3A_558 = vector.broadcast %parallel_loop3A_557 : i32 to vector<16xi32>
      %parallel_loop3A_559 = arith.cmpi ne, %parallel_loop3A_505, %parallel_loop3A_558 : vector<16xi32>
      %parallel_loop3A_560 = arith.constant 0.000000e+00 : f32
      %parallel_loop3A_561 = vector.broadcast %parallel_loop3A_560 : f32 to vector<16xf32>
      %parallel_loop3A_562 = arith.select %parallel_loop3A_559, %parallel_loop3A_556, %parallel_loop3A_561 : vector<16xi1>, vector<16xf32>
      %parallel_loop3A_563 = arith.addf %parallel_loop3A_49, %parallel_loop3A_562 : vector<16xf32>
      %parallel_loop3A_564 = arith.constant 1.000000e+00 : f32
      %parallel_loop3A_565 = arith.constant 0.000000e+00 : f32
      %parallel_loop3A_566 = vector.broadcast %parallel_loop3A_564 : f32 to vector<16xf32>
      %parallel_loop3A_567 = vector.broadcast %parallel_loop3A_565 : f32 to vector<16xf32>
      %parallel_loop3A_568 = arith.select %parallel_loop3A_559, %parallel_loop3A_566, %parallel_loop3A_567 : vector<16xi1>, vector<16xf32>
      %parallel_loop3A_569 = arith.addf %parallel_loop3A_57, %parallel_loop3A_568 : vector<16xf32>
      %parallel_loop3A_570 = arith.constant 16 : i32
      %parallel_loop3A_571 = arith.muli %parallel_loop3A_42, %parallel_loop3A_570 : i32
      %parallel_loop3A_572 = arith.constant 7 : i32
      %parallel_loop3A_573 = arith.addi %parallel_loop3A_571, %parallel_loop3A_572 : i32
      %parallel_loop3A_574 = arith.constant 16 : i32
      %parallel_loop3A_575 = arith.muli %parallel_loop3A_573, %parallel_loop3A_574 : i32
      %parallel_loop3A_576 = arith.index_cast %parallel_loop3A_575 : i32 to index
      %parallel_loop3A_577 = tpu.vector_load %arg8[%parallel_loop3A_576] {strides = array<i32>} : memref<4096xi32, #tpu.memory_space<vmem>>, vector<16xi32>,
      %parallel_loop3A_578 = vector.shape_cast %parallel_loop3A_577 : vector<16xi32> to vector<16xi32>
      %parallel_loop3A_579 = arith.index_cast %parallel_loop3A_575 : i32 to index
      %parallel_loop3A_580 = tpu.vector_load %arg6[%parallel_loop3A_579] {strides = array<i32>} : memref<4096xf32, #tpu.memory_space<vmem>>, vector<16xf32>,
      %parallel_loop3A_581 = vector.shape_cast %parallel_loop3A_580 : vector<16xf32> to vector<16xf32>
      %parallel_loop3A_582 = arith.index_cast %parallel_loop3A_575 : i32 to index
      %parallel_loop3A_583 = tpu.vector_load %arg7[%parallel_loop3A_582] {strides = array<i32>} : memref<4096xf32, #tpu.memory_space<vmem>>, vector<16xf32>,
      %parallel_loop3A_584 = vector.shape_cast %parallel_loop3A_583 : vector<16xf32> to vector<16xf32>
      %parallel_loop3A_585 = arith.subf %parallel_loop3A_584, %parallel_loop3A_581 : vector<16xf32>
      %parallel_loop3A_586 = arith.constant 0.000000e+00 : f32
      %parallel_loop3A_587 = vector.broadcast %parallel_loop3A_586 : f32 to vector<16xf32>
      %parallel_loop3A_588 = arith.maximumf %parallel_loop3A_585, %parallel_loop3A_587 : vector<16xf32>
      %parallel_loop3A_589 = arith.subf %parallel_loop3A_588, %parallel_loop3A_585 : vector<16xf32>
      %parallel_loop3A_590 = arith.constant 1 : i32
      %parallel_loop3A_591 = vector.broadcast %parallel_loop3A_590 : i32 to vector<16xi32>
      %parallel_loop3A_592 = arith.cmpi eq, %parallel_loop3A_578, %parallel_loop3A_591 : vector<16xi32>
      %parallel_loop3A_593 = arith.select %parallel_loop3A_592, %parallel_loop3A_589, %parallel_loop3A_588 : vector<16xi1>, vector<16xf32>
      %parallel_loop3A_594 = arith.constant 0.000000e+00 : f32
      %parallel_loop3A_595 = vector.broadcast %parallel_loop3A_594 : f32 to vector<16xf32>
      %parallel_loop3A_596 = arith.subf %parallel_loop3A_595, %parallel_loop3A_585 : vector<16xf32>
      %parallel_loop3A_597 = arith.minimumf %parallel_loop3A_585, %parallel_loop3A_596 : vector<16xf32>
      %parallel_loop3A_598 = math.exp %parallel_loop3A_597 : vector<16xf32>
      %parallel_loop3A_599 = arith.constant 0.0101190833 : f32
      %parallel_loop3A_600 = vector.broadcast %parallel_loop3A_599 : f32 to vector<16xf32>
      %parallel_loop3A_601 = arith.mulf %parallel_loop3A_600, %parallel_loop3A_598 : vector<16xf32>
      %parallel_loop3A_602 = arith.constant -0.0526248515 : f32
      %parallel_loop3A_603 = vector.broadcast %parallel_loop3A_602 : f32 to vector<16xf32>
      %parallel_loop3A_604 = arith.addf %parallel_loop3A_601, %parallel_loop3A_603 : vector<16xf32>
      %parallel_loop3A_605 = arith.mulf %parallel_loop3A_604, %parallel_loop3A_598 : vector<16xf32>
      %parallel_loop3A_606 = arith.constant 0.130765036 : f32
      %parallel_loop3A_607 = vector.broadcast %parallel_loop3A_606 : f32 to vector<16xf32>
      %parallel_loop3A_608 = arith.addf %parallel_loop3A_605, %parallel_loop3A_607 : vector<16xf32>
      %parallel_loop3A_609 = arith.mulf %parallel_loop3A_608, %parallel_loop3A_598 : vector<16xf32>
      %parallel_loop3A_610 = arith.constant -0.222836256 : f32
      %parallel_loop3A_611 = vector.broadcast %parallel_loop3A_610 : f32 to vector<16xf32>
      %parallel_loop3A_612 = arith.addf %parallel_loop3A_609, %parallel_loop3A_611 : vector<16xf32>
      %parallel_loop3A_613 = arith.mulf %parallel_loop3A_612, %parallel_loop3A_598 : vector<16xf32>
      %parallel_loop3A_614 = arith.constant 0.32697311 : f32
      %parallel_loop3A_615 = vector.broadcast %parallel_loop3A_614 : f32 to vector<16xf32>
      %parallel_loop3A_616 = arith.addf %parallel_loop3A_613, %parallel_loop3A_615 : vector<16xf32>
      %parallel_loop3A_617 = arith.mulf %parallel_loop3A_616, %parallel_loop3A_598 : vector<16xf32>
      %parallel_loop3A_618 = arith.constant -0.499206573 : f32
      %parallel_loop3A_619 = vector.broadcast %parallel_loop3A_618 : f32 to vector<16xf32>
      %parallel_loop3A_620 = arith.addf %parallel_loop3A_617, %parallel_loop3A_619 : vector<16xf32>
      %parallel_loop3A_621 = arith.mulf %parallel_loop3A_620, %parallel_loop3A_598 : vector<16xf32>
      %parallel_loop3A_622 = arith.constant 0.999957501 : f32
      %parallel_loop3A_623 = vector.broadcast %parallel_loop3A_622 : f32 to vector<16xf32>
      %parallel_loop3A_624 = arith.addf %parallel_loop3A_621, %parallel_loop3A_623 : vector<16xf32>
      %parallel_loop3A_625 = arith.mulf %parallel_loop3A_624, %parallel_loop3A_598 : vector<16xf32>
      %parallel_loop3A_626 = arith.constant 5.62195908E-7 : f32
      %parallel_loop3A_627 = vector.broadcast %parallel_loop3A_626 : f32 to vector<16xf32>
      %parallel_loop3A_628 = arith.addf %parallel_loop3A_625, %parallel_loop3A_627 : vector<16xf32>
      %parallel_loop3A_629 = arith.addf %parallel_loop3A_593, %parallel_loop3A_628 : vector<16xf32>
      %parallel_loop3A_630 = arith.constant -1 : i32
      %parallel_loop3A_631 = vector.broadcast %parallel_loop3A_630 : i32 to vector<16xi32>
      %parallel_loop3A_632 = arith.cmpi ne, %parallel_loop3A_578, %parallel_loop3A_631 : vector<16xi32>
      %parallel_loop3A_633 = arith.constant 0.000000e+00 : f32
      %parallel_loop3A_634 = vector.broadcast %parallel_loop3A_633 : f32 to vector<16xf32>
      %parallel_loop3A_635 = arith.select %parallel_loop3A_632, %parallel_loop3A_629, %parallel_loop3A_634 : vector<16xi1>, vector<16xf32>
      %parallel_loop3A_636 = arith.addf %parallel_loop3A_50, %parallel_loop3A_635 : vector<16xf32>
      %parallel_loop3A_637 = arith.constant 1.000000e+00 : f32
      %parallel_loop3A_638 = arith.constant 0.000000e+00 : f32
      %parallel_loop3A_639 = vector.broadcast %parallel_loop3A_637 : f32 to vector<16xf32>
      %parallel_loop3A_640 = vector.broadcast %parallel_loop3A_638 : f32 to vector<16xf32>
      %parallel_loop3A_641 = arith.select %parallel_loop3A_632, %parallel_loop3A_639, %parallel_loop3A_640 : vector<16xi1>, vector<16xf32>
      %parallel_loop3A_642 = arith.addf %parallel_loop3A_58, %parallel_loop3A_641 : vector<16xf32>
      %parallel_loop3A_643 = arith.constant 16 : i32
      %parallel_loop3A_644 = arith.muli %parallel_loop3A_42, %parallel_loop3A_643 : i32
      %parallel_loop3A_645 = arith.constant 8 : i32
      %parallel_loop3A_646 = arith.addi %parallel_loop3A_644, %parallel_loop3A_645 : i32
      %parallel_loop3A_647 = arith.constant 16 : i32
      %parallel_loop3A_648 = arith.muli %parallel_loop3A_646, %parallel_loop3A_647 : i32
      %parallel_loop3A_649 = arith.index_cast %parallel_loop3A_648 : i32 to index
      %parallel_loop3A_650 = tpu.vector_load %arg8[%parallel_loop3A_649] {strides = array<i32>} : memref<4096xi32, #tpu.memory_space<vmem>>, vector<16xi32>,
      %parallel_loop3A_651 = vector.shape_cast %parallel_loop3A_650 : vector<16xi32> to vector<16xi32>
      %parallel_loop3A_652 = arith.index_cast %parallel_loop3A_648 : i32 to index
      %parallel_loop3A_653 = tpu.vector_load %arg6[%parallel_loop3A_652] {strides = array<i32>} : memref<4096xf32, #tpu.memory_space<vmem>>, vector<16xf32>,
      %parallel_loop3A_654 = vector.shape_cast %parallel_loop3A_653 : vector<16xf32> to vector<16xf32>
      %parallel_loop3A_655 = arith.index_cast %parallel_loop3A_648 : i32 to index
      %parallel_loop3A_656 = tpu.vector_load %arg7[%parallel_loop3A_655] {strides = array<i32>} : memref<4096xf32, #tpu.memory_space<vmem>>, vector<16xf32>,
      %parallel_loop3A_657 = vector.shape_cast %parallel_loop3A_656 : vector<16xf32> to vector<16xf32>
      %parallel_loop3A_658 = arith.subf %parallel_loop3A_657, %parallel_loop3A_654 : vector<16xf32>
      %parallel_loop3A_659 = arith.constant 0.000000e+00 : f32
      %parallel_loop3A_660 = vector.broadcast %parallel_loop3A_659 : f32 to vector<16xf32>
      %parallel_loop3A_661 = arith.maximumf %parallel_loop3A_658, %parallel_loop3A_660 : vector<16xf32>
      %parallel_loop3A_662 = arith.subf %parallel_loop3A_661, %parallel_loop3A_658 : vector<16xf32>
      %parallel_loop3A_663 = arith.constant 1 : i32
      %parallel_loop3A_664 = vector.broadcast %parallel_loop3A_663 : i32 to vector<16xi32>
      %parallel_loop3A_665 = arith.cmpi eq, %parallel_loop3A_651, %parallel_loop3A_664 : vector<16xi32>
      %parallel_loop3A_666 = arith.select %parallel_loop3A_665, %parallel_loop3A_662, %parallel_loop3A_661 : vector<16xi1>, vector<16xf32>
      %parallel_loop3A_667 = arith.constant 0.000000e+00 : f32
      %parallel_loop3A_668 = vector.broadcast %parallel_loop3A_667 : f32 to vector<16xf32>
      %parallel_loop3A_669 = arith.subf %parallel_loop3A_668, %parallel_loop3A_658 : vector<16xf32>
      %parallel_loop3A_670 = arith.minimumf %parallel_loop3A_658, %parallel_loop3A_669 : vector<16xf32>
      %parallel_loop3A_671 = math.exp %parallel_loop3A_670 : vector<16xf32>
      %parallel_loop3A_672 = arith.constant 0.0101190833 : f32
      %parallel_loop3A_673 = vector.broadcast %parallel_loop3A_672 : f32 to vector<16xf32>
      %parallel_loop3A_674 = arith.mulf %parallel_loop3A_673, %parallel_loop3A_671 : vector<16xf32>
      %parallel_loop3A_675 = arith.constant -0.0526248515 : f32
      %parallel_loop3A_676 = vector.broadcast %parallel_loop3A_675 : f32 to vector<16xf32>
      %parallel_loop3A_677 = arith.addf %parallel_loop3A_674, %parallel_loop3A_676 : vector<16xf32>
      %parallel_loop3A_678 = arith.mulf %parallel_loop3A_677, %parallel_loop3A_671 : vector<16xf32>
      %parallel_loop3A_679 = arith.constant 0.130765036 : f32
      %parallel_loop3A_680 = vector.broadcast %parallel_loop3A_679 : f32 to vector<16xf32>
      %parallel_loop3A_681 = arith.addf %parallel_loop3A_678, %parallel_loop3A_680 : vector<16xf32>
      %parallel_loop3A_682 = arith.mulf %parallel_loop3A_681, %parallel_loop3A_671 : vector<16xf32>
      %parallel_loop3A_683 = arith.constant -0.222836256 : f32
      %parallel_loop3A_684 = vector.broadcast %parallel_loop3A_683 : f32 to vector<16xf32>
      %parallel_loop3A_685 = arith.addf %parallel_loop3A_682, %parallel_loop3A_684 : vector<16xf32>
      %parallel_loop3A_686 = arith.mulf %parallel_loop3A_685, %parallel_loop3A_671 : vector<16xf32>
      %parallel_loop3A_687 = arith.constant 0.32697311 : f32
      %parallel_loop3A_688 = vector.broadcast %parallel_loop3A_687 : f32 to vector<16xf32>
      %parallel_loop3A_689 = arith.addf %parallel_loop3A_686, %parallel_loop3A_688 : vector<16xf32>
      %parallel_loop3A_690 = arith.mulf %parallel_loop3A_689, %parallel_loop3A_671 : vector<16xf32>
      %parallel_loop3A_691 = arith.constant -0.499206573 : f32
      %parallel_loop3A_692 = vector.broadcast %parallel_loop3A_691 : f32 to vector<16xf32>
      %parallel_loop3A_693 = arith.addf %parallel_loop3A_690, %parallel_loop3A_692 : vector<16xf32>
      %parallel_loop3A_694 = arith.mulf %parallel_loop3A_693, %parallel_loop3A_671 : vector<16xf32>
      %parallel_loop3A_695 = arith.constant 0.999957501 : f32
      %parallel_loop3A_696 = vector.broadcast %parallel_loop3A_695 : f32 to vector<16xf32>
      %parallel_loop3A_697 = arith.addf %parallel_loop3A_694, %parallel_loop3A_696 : vector<16xf32>
      %parallel_loop3A_698 = arith.mulf %parallel_loop3A_697, %parallel_loop3A_671 : vector<16xf32>
      %parallel_loop3A_699 = arith.constant 5.62195908E-7 : f32
      %parallel_loop3A_700 = vector.broadcast %parallel_loop3A_699 : f32 to vector<16xf32>
      %parallel_loop3A_701 = arith.addf %parallel_loop3A_698, %parallel_loop3A_700 : vector<16xf32>
      %parallel_loop3A_702 = arith.addf %parallel_loop3A_666, %parallel_loop3A_701 : vector<16xf32>
      %parallel_loop3A_703 = arith.constant -1 : i32
      %parallel_loop3A_704 = vector.broadcast %parallel_loop3A_703 : i32 to vector<16xi32>
      %parallel_loop3A_705 = arith.cmpi ne, %parallel_loop3A_651, %parallel_loop3A_704 : vector<16xi32>
      %parallel_loop3A_706 = arith.constant 0.000000e+00 : f32
      %parallel_loop3A_707 = vector.broadcast %parallel_loop3A_706 : f32 to vector<16xf32>
      %parallel_loop3A_708 = arith.select %parallel_loop3A_705, %parallel_loop3A_702, %parallel_loop3A_707 : vector<16xi1>, vector<16xf32>
      %parallel_loop3A_709 = arith.addf %parallel_loop3A_125, %parallel_loop3A_708 : vector<16xf32>
      %parallel_loop3A_710 = arith.constant 1.000000e+00 : f32
      %parallel_loop3A_711 = arith.constant 0.000000e+00 : f32
      %parallel_loop3A_712 = vector.broadcast %parallel_loop3A_710 : f32 to vector<16xf32>
      %parallel_loop3A_713 = vector.broadcast %parallel_loop3A_711 : f32 to vector<16xf32>
      %parallel_loop3A_714 = arith.select %parallel_loop3A_705, %parallel_loop3A_712, %parallel_loop3A_713 : vector<16xi1>, vector<16xf32>
      %parallel_loop3A_715 = arith.addf %parallel_loop3A_131, %parallel_loop3A_714 : vector<16xf32>
      %parallel_loop3A_716 = arith.constant 16 : i32
      %parallel_loop3A_717 = arith.muli %parallel_loop3A_42, %parallel_loop3A_716 : i32
      %parallel_loop3A_718 = arith.constant 9 : i32
      %parallel_loop3A_719 = arith.addi %parallel_loop3A_717, %parallel_loop3A_718 : i32
      %parallel_loop3A_720 = arith.constant 16 : i32
      %parallel_loop3A_721 = arith.muli %parallel_loop3A_719, %parallel_loop3A_720 : i32
      %parallel_loop3A_722 = arith.index_cast %parallel_loop3A_721 : i32 to index
      %parallel_loop3A_723 = tpu.vector_load %arg8[%parallel_loop3A_722] {strides = array<i32>} : memref<4096xi32, #tpu.memory_space<vmem>>, vector<16xi32>,
      %parallel_loop3A_724 = vector.shape_cast %parallel_loop3A_723 : vector<16xi32> to vector<16xi32>
      %parallel_loop3A_725 = arith.index_cast %parallel_loop3A_721 : i32 to index
      %parallel_loop3A_726 = tpu.vector_load %arg6[%parallel_loop3A_725] {strides = array<i32>} : memref<4096xf32, #tpu.memory_space<vmem>>, vector<16xf32>,
      %parallel_loop3A_727 = vector.shape_cast %parallel_loop3A_726 : vector<16xf32> to vector<16xf32>
      %parallel_loop3A_728 = arith.index_cast %parallel_loop3A_721 : i32 to index
      %parallel_loop3A_729 = tpu.vector_load %arg7[%parallel_loop3A_728] {strides = array<i32>} : memref<4096xf32, #tpu.memory_space<vmem>>, vector<16xf32>,
      %parallel_loop3A_730 = vector.shape_cast %parallel_loop3A_729 : vector<16xf32> to vector<16xf32>
      %parallel_loop3A_731 = arith.subf %parallel_loop3A_730, %parallel_loop3A_727 : vector<16xf32>
      %parallel_loop3A_732 = arith.constant 0.000000e+00 : f32
      %parallel_loop3A_733 = vector.broadcast %parallel_loop3A_732 : f32 to vector<16xf32>
      %parallel_loop3A_734 = arith.maximumf %parallel_loop3A_731, %parallel_loop3A_733 : vector<16xf32>
      %parallel_loop3A_735 = arith.subf %parallel_loop3A_734, %parallel_loop3A_731 : vector<16xf32>
      %parallel_loop3A_736 = arith.constant 1 : i32
      %parallel_loop3A_737 = vector.broadcast %parallel_loop3A_736 : i32 to vector<16xi32>
      %parallel_loop3A_738 = arith.cmpi eq, %parallel_loop3A_724, %parallel_loop3A_737 : vector<16xi32>
      %parallel_loop3A_739 = arith.select %parallel_loop3A_738, %parallel_loop3A_735, %parallel_loop3A_734 : vector<16xi1>, vector<16xf32>
      %parallel_loop3A_740 = arith.constant 0.000000e+00 : f32
      %parallel_loop3A_741 = vector.broadcast %parallel_loop3A_740 : f32 to vector<16xf32>
      %parallel_loop3A_742 = arith.subf %parallel_loop3A_741, %parallel_loop3A_731 : vector<16xf32>
      %parallel_loop3A_743 = arith.minimumf %parallel_loop3A_731, %parallel_loop3A_742 : vector<16xf32>
      %parallel_loop3A_744 = math.exp %parallel_loop3A_743 : vector<16xf32>
      %parallel_loop3A_745 = arith.constant 0.0101190833 : f32
      %parallel_loop3A_746 = vector.broadcast %parallel_loop3A_745 : f32 to vector<16xf32>
      %parallel_loop3A_747 = arith.mulf %parallel_loop3A_746, %parallel_loop3A_744 : vector<16xf32>
      %parallel_loop3A_748 = arith.constant -0.0526248515 : f32
      %parallel_loop3A_749 = vector.broadcast %parallel_loop3A_748 : f32 to vector<16xf32>
      %parallel_loop3A_750 = arith.addf %parallel_loop3A_747, %parallel_loop3A_749 : vector<16xf32>
      %parallel_loop3A_751 = arith.mulf %parallel_loop3A_750, %parallel_loop3A_744 : vector<16xf32>
      %parallel_loop3A_752 = arith.constant 0.130765036 : f32
      %parallel_loop3A_753 = vector.broadcast %parallel_loop3A_752 : f32 to vector<16xf32>
      %parallel_loop3A_754 = arith.addf %parallel_loop3A_751, %parallel_loop3A_753 : vector<16xf32>
      %parallel_loop3A_755 = arith.mulf %parallel_loop3A_754, %parallel_loop3A_744 : vector<16xf32>
      %parallel_loop3A_756 = arith.constant -0.222836256 : f32
      %parallel_loop3A_757 = vector.broadcast %parallel_loop3A_756 : f32 to vector<16xf32>
      %parallel_loop3A_758 = arith.addf %parallel_loop3A_755, %parallel_loop3A_757 : vector<16xf32>
      %parallel_loop3A_759 = arith.mulf %parallel_loop3A_758, %parallel_loop3A_744 : vector<16xf32>
      %parallel_loop3A_760 = arith.constant 0.32697311 : f32
      %parallel_loop3A_761 = vector.broadcast %parallel_loop3A_760 : f32 to vector<16xf32>
      %parallel_loop3A_762 = arith.addf %parallel_loop3A_759, %parallel_loop3A_761 : vector<16xf32>
      %parallel_loop3A_763 = arith.mulf %parallel_loop3A_762, %parallel_loop3A_744 : vector<16xf32>
      %parallel_loop3A_764 = arith.constant -0.499206573 : f32
      %parallel_loop3A_765 = vector.broadcast %parallel_loop3A_764 : f32 to vector<16xf32>
      %parallel_loop3A_766 = arith.addf %parallel_loop3A_763, %parallel_loop3A_765 : vector<16xf32>
      %parallel_loop3A_767 = arith.mulf %parallel_loop3A_766, %parallel_loop3A_744 : vector<16xf32>
      %parallel_loop3A_768 = arith.constant 0.999957501 : f32
      %parallel_loop3A_769 = vector.broadcast %parallel_loop3A_768 : f32 to vector<16xf32>
      %parallel_loop3A_770 = arith.addf %parallel_loop3A_767, %parallel_loop3A_769 : vector<16xf32>
      %parallel_loop3A_771 = arith.mulf %parallel_loop3A_770, %parallel_loop3A_744 : vector<16xf32>
      %parallel_loop3A_772 = arith.constant 5.62195908E-7 : f32
      %parallel_loop3A_773 = vector.broadcast %parallel_loop3A_772 : f32 to vector<16xf32>
      %parallel_loop3A_774 = arith.addf %parallel_loop3A_771, %parallel_loop3A_773 : vector<16xf32>
      %parallel_loop3A_775 = arith.addf %parallel_loop3A_739, %parallel_loop3A_774 : vector<16xf32>
      %parallel_loop3A_776 = arith.constant -1 : i32
      %parallel_loop3A_777 = vector.broadcast %parallel_loop3A_776 : i32 to vector<16xi32>
      %parallel_loop3A_778 = arith.cmpi ne, %parallel_loop3A_724, %parallel_loop3A_777 : vector<16xi32>
      %parallel_loop3A_779 = arith.constant 0.000000e+00 : f32
      %parallel_loop3A_780 = vector.broadcast %parallel_loop3A_779 : f32 to vector<16xf32>
      %parallel_loop3A_781 = arith.select %parallel_loop3A_778, %parallel_loop3A_775, %parallel_loop3A_780 : vector<16xi1>, vector<16xf32>
      %parallel_loop3A_782 = arith.addf %parallel_loop3A_198, %parallel_loop3A_781 : vector<16xf32>
      %parallel_loop3A_783 = arith.constant 1.000000e+00 : f32
      %parallel_loop3A_784 = arith.constant 0.000000e+00 : f32
      %parallel_loop3A_785 = vector.broadcast %parallel_loop3A_783 : f32 to vector<16xf32>
      %parallel_loop3A_786 = vector.broadcast %parallel_loop3A_784 : f32 to vector<16xf32>
      %parallel_loop3A_787 = arith.select %parallel_loop3A_778, %parallel_loop3A_785, %parallel_loop3A_786 : vector<16xi1>, vector<16xf32>
      %parallel_loop3A_788 = arith.addf %parallel_loop3A_204, %parallel_loop3A_787 : vector<16xf32>
      %parallel_loop3A_789 = arith.constant 16 : i32
      %parallel_loop3A_790 = arith.muli %parallel_loop3A_42, %parallel_loop3A_789 : i32
      %parallel_loop3A_791 = arith.constant 10 : i32
      %parallel_loop3A_792 = arith.addi %parallel_loop3A_790, %parallel_loop3A_791 : i32
      %parallel_loop3A_793 = arith.constant 16 : i32
      %parallel_loop3A_794 = arith.muli %parallel_loop3A_792, %parallel_loop3A_793 : i32
      %parallel_loop3A_795 = arith.index_cast %parallel_loop3A_794 : i32 to index
      %parallel_loop3A_796 = tpu.vector_load %arg8[%parallel_loop3A_795] {strides = array<i32>} : memref<4096xi32, #tpu.memory_space<vmem>>, vector<16xi32>,
      %parallel_loop3A_797 = vector.shape_cast %parallel_loop3A_796 : vector<16xi32> to vector<16xi32>
      %parallel_loop3A_798 = arith.index_cast %parallel_loop3A_794 : i32 to index
      %parallel_loop3A_799 = tpu.vector_load %arg6[%parallel_loop3A_798] {strides = array<i32>} : memref<4096xf32, #tpu.memory_space<vmem>>, vector<16xf32>,
      %parallel_loop3A_800 = vector.shape_cast %parallel_loop3A_799 : vector<16xf32> to vector<16xf32>
      %parallel_loop3A_801 = arith.index_cast %parallel_loop3A_794 : i32 to index
      %parallel_loop3A_802 = tpu.vector_load %arg7[%parallel_loop3A_801] {strides = array<i32>} : memref<4096xf32, #tpu.memory_space<vmem>>, vector<16xf32>,
      %parallel_loop3A_803 = vector.shape_cast %parallel_loop3A_802 : vector<16xf32> to vector<16xf32>
      %parallel_loop3A_804 = arith.subf %parallel_loop3A_803, %parallel_loop3A_800 : vector<16xf32>
      %parallel_loop3A_805 = arith.constant 0.000000e+00 : f32
      %parallel_loop3A_806 = vector.broadcast %parallel_loop3A_805 : f32 to vector<16xf32>
      %parallel_loop3A_807 = arith.maximumf %parallel_loop3A_804, %parallel_loop3A_806 : vector<16xf32>
      %parallel_loop3A_808 = arith.subf %parallel_loop3A_807, %parallel_loop3A_804 : vector<16xf32>
      %parallel_loop3A_809 = arith.constant 1 : i32
      %parallel_loop3A_810 = vector.broadcast %parallel_loop3A_809 : i32 to vector<16xi32>
      %parallel_loop3A_811 = arith.cmpi eq, %parallel_loop3A_797, %parallel_loop3A_810 : vector<16xi32>
      %parallel_loop3A_812 = arith.select %parallel_loop3A_811, %parallel_loop3A_808, %parallel_loop3A_807 : vector<16xi1>, vector<16xf32>
      %parallel_loop3A_813 = arith.constant 0.000000e+00 : f32
      %parallel_loop3A_814 = vector.broadcast %parallel_loop3A_813 : f32 to vector<16xf32>
      %parallel_loop3A_815 = arith.subf %parallel_loop3A_814, %parallel_loop3A_804 : vector<16xf32>
      %parallel_loop3A_816 = arith.minimumf %parallel_loop3A_804, %parallel_loop3A_815 : vector<16xf32>
      %parallel_loop3A_817 = math.exp %parallel_loop3A_816 : vector<16xf32>
      %parallel_loop3A_818 = arith.constant 0.0101190833 : f32
      %parallel_loop3A_819 = vector.broadcast %parallel_loop3A_818 : f32 to vector<16xf32>
      %parallel_loop3A_820 = arith.mulf %parallel_loop3A_819, %parallel_loop3A_817 : vector<16xf32>
      %parallel_loop3A_821 = arith.constant -0.0526248515 : f32
      %parallel_loop3A_822 = vector.broadcast %parallel_loop3A_821 : f32 to vector<16xf32>
      %parallel_loop3A_823 = arith.addf %parallel_loop3A_820, %parallel_loop3A_822 : vector<16xf32>
      %parallel_loop3A_824 = arith.mulf %parallel_loop3A_823, %parallel_loop3A_817 : vector<16xf32>
      %parallel_loop3A_825 = arith.constant 0.130765036 : f32
      %parallel_loop3A_826 = vector.broadcast %parallel_loop3A_825 : f32 to vector<16xf32>
      %parallel_loop3A_827 = arith.addf %parallel_loop3A_824, %parallel_loop3A_826 : vector<16xf32>
      %parallel_loop3A_828 = arith.mulf %parallel_loop3A_827, %parallel_loop3A_817 : vector<16xf32>
      %parallel_loop3A_829 = arith.constant -0.222836256 : f32
      %parallel_loop3A_830 = vector.broadcast %parallel_loop3A_829 : f32 to vector<16xf32>
      %parallel_loop3A_831 = arith.addf %parallel_loop3A_828, %parallel_loop3A_830 : vector<16xf32>
      %parallel_loop3A_832 = arith.mulf %parallel_loop3A_831, %parallel_loop3A_817 : vector<16xf32>
      %parallel_loop3A_833 = arith.constant 0.32697311 : f32
      %parallel_loop3A_834 = vector.broadcast %parallel_loop3A_833 : f32 to vector<16xf32>
      %parallel_loop3A_835 = arith.addf %parallel_loop3A_832, %parallel_loop3A_834 : vector<16xf32>
      %parallel_loop3A_836 = arith.mulf %parallel_loop3A_835, %parallel_loop3A_817 : vector<16xf32>
      %parallel_loop3A_837 = arith.constant -0.499206573 : f32
      %parallel_loop3A_838 = vector.broadcast %parallel_loop3A_837 : f32 to vector<16xf32>
      %parallel_loop3A_839 = arith.addf %parallel_loop3A_836, %parallel_loop3A_838 : vector<16xf32>
      %parallel_loop3A_840 = arith.mulf %parallel_loop3A_839, %parallel_loop3A_817 : vector<16xf32>
      %parallel_loop3A_841 = arith.constant 0.999957501 : f32
      %parallel_loop3A_842 = vector.broadcast %parallel_loop3A_841 : f32 to vector<16xf32>
      %parallel_loop3A_843 = arith.addf %parallel_loop3A_840, %parallel_loop3A_842 : vector<16xf32>
      %parallel_loop3A_844 = arith.mulf %parallel_loop3A_843, %parallel_loop3A_817 : vector<16xf32>
      %parallel_loop3A_845 = arith.constant 5.62195908E-7 : f32
      %parallel_loop3A_846 = vector.broadcast %parallel_loop3A_845 : f32 to vector<16xf32>
      %parallel_loop3A_847 = arith.addf %parallel_loop3A_844, %parallel_loop3A_846 : vector<16xf32>
      %parallel_loop3A_848 = arith.addf %parallel_loop3A_812, %parallel_loop3A_847 : vector<16xf32>
      %parallel_loop3A_849 = arith.constant -1 : i32
      %parallel_loop3A_850 = vector.broadcast %parallel_loop3A_849 : i32 to vector<16xi32>
      %parallel_loop3A_851 = arith.cmpi ne, %parallel_loop3A_797, %parallel_loop3A_850 : vector<16xi32>
      %parallel_loop3A_852 = arith.constant 0.000000e+00 : f32
      %parallel_loop3A_853 = vector.broadcast %parallel_loop3A_852 : f32 to vector<16xf32>
      %parallel_loop3A_854 = arith.select %parallel_loop3A_851, %parallel_loop3A_848, %parallel_loop3A_853 : vector<16xi1>, vector<16xf32>
      %parallel_loop3A_855 = arith.addf %parallel_loop3A_271, %parallel_loop3A_854 : vector<16xf32>
      %parallel_loop3A_856 = arith.constant 1.000000e+00 : f32
      %parallel_loop3A_857 = arith.constant 0.000000e+00 : f32
      %parallel_loop3A_858 = vector.broadcast %parallel_loop3A_856 : f32 to vector<16xf32>
      %parallel_loop3A_859 = vector.broadcast %parallel_loop3A_857 : f32 to vector<16xf32>
      %parallel_loop3A_860 = arith.select %parallel_loop3A_851, %parallel_loop3A_858, %parallel_loop3A_859 : vector<16xi1>, vector<16xf32>
      %parallel_loop3A_861 = arith.addf %parallel_loop3A_277, %parallel_loop3A_860 : vector<16xf32>
      %parallel_loop3A_862 = arith.constant 16 : i32
      %parallel_loop3A_863 = arith.muli %parallel_loop3A_42, %parallel_loop3A_862 : i32
      %parallel_loop3A_864 = arith.constant 11 : i32
      %parallel_loop3A_865 = arith.addi %parallel_loop3A_863, %parallel_loop3A_864 : i32
      %parallel_loop3A_866 = arith.constant 16 : i32
      %parallel_loop3A_867 = arith.muli %parallel_loop3A_865, %parallel_loop3A_866 : i32
      %parallel_loop3A_868 = arith.index_cast %parallel_loop3A_867 : i32 to index
      %parallel_loop3A_869 = tpu.vector_load %arg8[%parallel_loop3A_868] {strides = array<i32>} : memref<4096xi32, #tpu.memory_space<vmem>>, vector<16xi32>,
      %parallel_loop3A_870 = vector.shape_cast %parallel_loop3A_869 : vector<16xi32> to vector<16xi32>
      %parallel_loop3A_871 = arith.index_cast %parallel_loop3A_867 : i32 to index
      %parallel_loop3A_872 = tpu.vector_load %arg6[%parallel_loop3A_871] {strides = array<i32>} : memref<4096xf32, #tpu.memory_space<vmem>>, vector<16xf32>,
      %parallel_loop3A_873 = vector.shape_cast %parallel_loop3A_872 : vector<16xf32> to vector<16xf32>
      %parallel_loop3A_874 = arith.index_cast %parallel_loop3A_867 : i32 to index
      %parallel_loop3A_875 = tpu.vector_load %arg7[%parallel_loop3A_874] {strides = array<i32>} : memref<4096xf32, #tpu.memory_space<vmem>>, vector<16xf32>,
      %parallel_loop3A_876 = vector.shape_cast %parallel_loop3A_875 : vector<16xf32> to vector<16xf32>
      %parallel_loop3A_877 = arith.subf %parallel_loop3A_876, %parallel_loop3A_873 : vector<16xf32>
      %parallel_loop3A_878 = arith.constant 0.000000e+00 : f32
      %parallel_loop3A_879 = vector.broadcast %parallel_loop3A_878 : f32 to vector<16xf32>
      %parallel_loop3A_880 = arith.maximumf %parallel_loop3A_877, %parallel_loop3A_879 : vector<16xf32>
      %parallel_loop3A_881 = arith.subf %parallel_loop3A_880, %parallel_loop3A_877 : vector<16xf32>
      %parallel_loop3A_882 = arith.constant 1 : i32
      %parallel_loop3A_883 = vector.broadcast %parallel_loop3A_882 : i32 to vector<16xi32>
      %parallel_loop3A_884 = arith.cmpi eq, %parallel_loop3A_870, %parallel_loop3A_883 : vector<16xi32>
      %parallel_loop3A_885 = arith.select %parallel_loop3A_884, %parallel_loop3A_881, %parallel_loop3A_880 : vector<16xi1>, vector<16xf32>
      %parallel_loop3A_886 = arith.constant 0.000000e+00 : f32
      %parallel_loop3A_887 = vector.broadcast %parallel_loop3A_886 : f32 to vector<16xf32>
      %parallel_loop3A_888 = arith.subf %parallel_loop3A_887, %parallel_loop3A_877 : vector<16xf32>
      %parallel_loop3A_889 = arith.minimumf %parallel_loop3A_877, %parallel_loop3A_888 : vector<16xf32>
      %parallel_loop3A_890 = math.exp %parallel_loop3A_889 : vector<16xf32>
      %parallel_loop3A_891 = arith.constant 0.0101190833 : f32
      %parallel_loop3A_892 = vector.broadcast %parallel_loop3A_891 : f32 to vector<16xf32>
      %parallel_loop3A_893 = arith.mulf %parallel_loop3A_892, %parallel_loop3A_890 : vector<16xf32>
      %parallel_loop3A_894 = arith.constant -0.0526248515 : f32
      %parallel_loop3A_895 = vector.broadcast %parallel_loop3A_894 : f32 to vector<16xf32>
      %parallel_loop3A_896 = arith.addf %parallel_loop3A_893, %parallel_loop3A_895 : vector<16xf32>
      %parallel_loop3A_897 = arith.mulf %parallel_loop3A_896, %parallel_loop3A_890 : vector<16xf32>
      %parallel_loop3A_898 = arith.constant 0.130765036 : f32
      %parallel_loop3A_899 = vector.broadcast %parallel_loop3A_898 : f32 to vector<16xf32>
      %parallel_loop3A_900 = arith.addf %parallel_loop3A_897, %parallel_loop3A_899 : vector<16xf32>
      %parallel_loop3A_901 = arith.mulf %parallel_loop3A_900, %parallel_loop3A_890 : vector<16xf32>
      %parallel_loop3A_902 = arith.constant -0.222836256 : f32
      %parallel_loop3A_903 = vector.broadcast %parallel_loop3A_902 : f32 to vector<16xf32>
      %parallel_loop3A_904 = arith.addf %parallel_loop3A_901, %parallel_loop3A_903 : vector<16xf32>
      %parallel_loop3A_905 = arith.mulf %parallel_loop3A_904, %parallel_loop3A_890 : vector<16xf32>
      %parallel_loop3A_906 = arith.constant 0.32697311 : f32
      %parallel_loop3A_907 = vector.broadcast %parallel_loop3A_906 : f32 to vector<16xf32>
      %parallel_loop3A_908 = arith.addf %parallel_loop3A_905, %parallel_loop3A_907 : vector<16xf32>
      %parallel_loop3A_909 = arith.mulf %parallel_loop3A_908, %parallel_loop3A_890 : vector<16xf32>
      %parallel_loop3A_910 = arith.constant -0.499206573 : f32
      %parallel_loop3A_911 = vector.broadcast %parallel_loop3A_910 : f32 to vector<16xf32>
      %parallel_loop3A_912 = arith.addf %parallel_loop3A_909, %parallel_loop3A_911 : vector<16xf32>
      %parallel_loop3A_913 = arith.mulf %parallel_loop3A_912, %parallel_loop3A_890 : vector<16xf32>
      %parallel_loop3A_914 = arith.constant 0.999957501 : f32
      %parallel_loop3A_915 = vector.broadcast %parallel_loop3A_914 : f32 to vector<16xf32>
      %parallel_loop3A_916 = arith.addf %parallel_loop3A_913, %parallel_loop3A_915 : vector<16xf32>
      %parallel_loop3A_917 = arith.mulf %parallel_loop3A_916, %parallel_loop3A_890 : vector<16xf32>
      %parallel_loop3A_918 = arith.constant 5.62195908E-7 : f32
      %parallel_loop3A_919 = vector.broadcast %parallel_loop3A_918 : f32 to vector<16xf32>
      %parallel_loop3A_920 = arith.addf %parallel_loop3A_917, %parallel_loop3A_919 : vector<16xf32>
      %parallel_loop3A_921 = arith.addf %parallel_loop3A_885, %parallel_loop3A_920 : vector<16xf32>
      %parallel_loop3A_922 = arith.constant -1 : i32
      %parallel_loop3A_923 = vector.broadcast %parallel_loop3A_922 : i32 to vector<16xi32>
      %parallel_loop3A_924 = arith.cmpi ne, %parallel_loop3A_870, %parallel_loop3A_923 : vector<16xi32>
      %parallel_loop3A_925 = arith.constant 0.000000e+00 : f32
      %parallel_loop3A_926 = vector.broadcast %parallel_loop3A_925 : f32 to vector<16xf32>
      %parallel_loop3A_927 = arith.select %parallel_loop3A_924, %parallel_loop3A_921, %parallel_loop3A_926 : vector<16xi1>, vector<16xf32>
      %parallel_loop3A_928 = arith.addf %parallel_loop3A_344, %parallel_loop3A_927 : vector<16xf32>
      %parallel_loop3A_929 = arith.constant 1.000000e+00 : f32
      %parallel_loop3A_930 = arith.constant 0.000000e+00 : f32
      %parallel_loop3A_931 = vector.broadcast %parallel_loop3A_929 : f32 to vector<16xf32>
      %parallel_loop3A_932 = vector.broadcast %parallel_loop3A_930 : f32 to vector<16xf32>
      %parallel_loop3A_933 = arith.select %parallel_loop3A_924, %parallel_loop3A_931, %parallel_loop3A_932 : vector<16xi1>, vector<16xf32>
      %parallel_loop3A_934 = arith.addf %parallel_loop3A_350, %parallel_loop3A_933 : vector<16xf32>
      %parallel_loop3A_935 = arith.constant 16 : i32
      %parallel_loop3A_936 = arith.muli %parallel_loop3A_42, %parallel_loop3A_935 : i32
      %parallel_loop3A_937 = arith.constant 12 : i32
      %parallel_loop3A_938 = arith.addi %parallel_loop3A_936, %parallel_loop3A_937 : i32
      %parallel_loop3A_939 = arith.constant 16 : i32
      %parallel_loop3A_940 = arith.muli %parallel_loop3A_938, %parallel_loop3A_939 : i32
      %parallel_loop3A_941 = arith.index_cast %parallel_loop3A_940 : i32 to index
      %parallel_loop3A_942 = tpu.vector_load %arg8[%parallel_loop3A_941] {strides = array<i32>} : memref<4096xi32, #tpu.memory_space<vmem>>, vector<16xi32>,
      %parallel_loop3A_943 = vector.shape_cast %parallel_loop3A_942 : vector<16xi32> to vector<16xi32>
      %parallel_loop3A_944 = arith.index_cast %parallel_loop3A_940 : i32 to index
      %parallel_loop3A_945 = tpu.vector_load %arg6[%parallel_loop3A_944] {strides = array<i32>} : memref<4096xf32, #tpu.memory_space<vmem>>, vector<16xf32>,
      %parallel_loop3A_946 = vector.shape_cast %parallel_loop3A_945 : vector<16xf32> to vector<16xf32>
      %parallel_loop3A_947 = arith.index_cast %parallel_loop3A_940 : i32 to index
      %parallel_loop3A_948 = tpu.vector_load %arg7[%parallel_loop3A_947] {strides = array<i32>} : memref<4096xf32, #tpu.memory_space<vmem>>, vector<16xf32>,
      %parallel_loop3A_949 = vector.shape_cast %parallel_loop3A_948 : vector<16xf32> to vector<16xf32>
      %parallel_loop3A_950 = arith.subf %parallel_loop3A_949, %parallel_loop3A_946 : vector<16xf32>
      %parallel_loop3A_951 = arith.constant 0.000000e+00 : f32
      %parallel_loop3A_952 = vector.broadcast %parallel_loop3A_951 : f32 to vector<16xf32>
      %parallel_loop3A_953 = arith.maximumf %parallel_loop3A_950, %parallel_loop3A_952 : vector<16xf32>
      %parallel_loop3A_954 = arith.subf %parallel_loop3A_953, %parallel_loop3A_950 : vector<16xf32>
      %parallel_loop3A_955 = arith.constant 1 : i32
      %parallel_loop3A_956 = vector.broadcast %parallel_loop3A_955 : i32 to vector<16xi32>
      %parallel_loop3A_957 = arith.cmpi eq, %parallel_loop3A_943, %parallel_loop3A_956 : vector<16xi32>
      %parallel_loop3A_958 = arith.select %parallel_loop3A_957, %parallel_loop3A_954, %parallel_loop3A_953 : vector<16xi1>, vector<16xf32>
      %parallel_loop3A_959 = arith.constant 0.000000e+00 : f32
      %parallel_loop3A_960 = vector.broadcast %parallel_loop3A_959 : f32 to vector<16xf32>
      %parallel_loop3A_961 = arith.subf %parallel_loop3A_960, %parallel_loop3A_950 : vector<16xf32>
      %parallel_loop3A_962 = arith.minimumf %parallel_loop3A_950, %parallel_loop3A_961 : vector<16xf32>
      %parallel_loop3A_963 = math.exp %parallel_loop3A_962 : vector<16xf32>
      %parallel_loop3A_964 = arith.constant 0.0101190833 : f32
      %parallel_loop3A_965 = vector.broadcast %parallel_loop3A_964 : f32 to vector<16xf32>
      %parallel_loop3A_966 = arith.mulf %parallel_loop3A_965, %parallel_loop3A_963 : vector<16xf32>
      %parallel_loop3A_967 = arith.constant -0.0526248515 : f32
      %parallel_loop3A_968 = vector.broadcast %parallel_loop3A_967 : f32 to vector<16xf32>
      %parallel_loop3A_969 = arith.addf %parallel_loop3A_966, %parallel_loop3A_968 : vector<16xf32>
      %parallel_loop3A_970 = arith.mulf %parallel_loop3A_969, %parallel_loop3A_963 : vector<16xf32>
      %parallel_loop3A_971 = arith.constant 0.130765036 : f32
      %parallel_loop3A_972 = vector.broadcast %parallel_loop3A_971 : f32 to vector<16xf32>
      %parallel_loop3A_973 = arith.addf %parallel_loop3A_970, %parallel_loop3A_972 : vector<16xf32>
      %parallel_loop3A_974 = arith.mulf %parallel_loop3A_973, %parallel_loop3A_963 : vector<16xf32>
      %parallel_loop3A_975 = arith.constant -0.222836256 : f32
      %parallel_loop3A_976 = vector.broadcast %parallel_loop3A_975 : f32 to vector<16xf32>
      %parallel_loop3A_977 = arith.addf %parallel_loop3A_974, %parallel_loop3A_976 : vector<16xf32>
      %parallel_loop3A_978 = arith.mulf %parallel_loop3A_977, %parallel_loop3A_963 : vector<16xf32>
      %parallel_loop3A_979 = arith.constant 0.32697311 : f32
      %parallel_loop3A_980 = vector.broadcast %parallel_loop3A_979 : f32 to vector<16xf32>
      %parallel_loop3A_981 = arith.addf %parallel_loop3A_978, %parallel_loop3A_980 : vector<16xf32>
      %parallel_loop3A_982 = arith.mulf %parallel_loop3A_981, %parallel_loop3A_963 : vector<16xf32>
      %parallel_loop3A_983 = arith.constant -0.499206573 : f32
      %parallel_loop3A_984 = vector.broadcast %parallel_loop3A_983 : f32 to vector<16xf32>
      %parallel_loop3A_985 = arith.addf %parallel_loop3A_982, %parallel_loop3A_984 : vector<16xf32>
      %parallel_loop3A_986 = arith.mulf %parallel_loop3A_985, %parallel_loop3A_963 : vector<16xf32>
      %parallel_loop3A_987 = arith.constant 0.999957501 : f32
      %parallel_loop3A_988 = vector.broadcast %parallel_loop3A_987 : f32 to vector<16xf32>
      %parallel_loop3A_989 = arith.addf %parallel_loop3A_986, %parallel_loop3A_988 : vector<16xf32>
      %parallel_loop3A_990 = arith.mulf %parallel_loop3A_989, %parallel_loop3A_963 : vector<16xf32>
      %parallel_loop3A_991 = arith.constant 5.62195908E-7 : f32
      %parallel_loop3A_992 = vector.broadcast %parallel_loop3A_991 : f32 to vector<16xf32>
      %parallel_loop3A_993 = arith.addf %parallel_loop3A_990, %parallel_loop3A_992 : vector<16xf32>
      %parallel_loop3A_994 = arith.addf %parallel_loop3A_958, %parallel_loop3A_993 : vector<16xf32>
      %parallel_loop3A_995 = arith.constant -1 : i32
      %parallel_loop3A_996 = vector.broadcast %parallel_loop3A_995 : i32 to vector<16xi32>
      %parallel_loop3A_997 = arith.cmpi ne, %parallel_loop3A_943, %parallel_loop3A_996 : vector<16xi32>
      %parallel_loop3A_998 = arith.constant 0.000000e+00 : f32
      %parallel_loop3A_999 = vector.broadcast %parallel_loop3A_998 : f32 to vector<16xf32>
      %parallel_loop3A_1000 = arith.select %parallel_loop3A_997, %parallel_loop3A_994, %parallel_loop3A_999 : vector<16xi1>, vector<16xf32>
      %parallel_loop3A_1001 = arith.addf %parallel_loop3A_417, %parallel_loop3A_1000 : vector<16xf32>
      %parallel_loop3A_1002 = arith.constant 1.000000e+00 : f32
      %parallel_loop3A_1003 = arith.constant 0.000000e+00 : f32
      %parallel_loop3A_1004 = vector.broadcast %parallel_loop3A_1002 : f32 to vector<16xf32>
      %parallel_loop3A_1005 = vector.broadcast %parallel_loop3A_1003 : f32 to vector<16xf32>
      %parallel_loop3A_1006 = arith.select %parallel_loop3A_997, %parallel_loop3A_1004, %parallel_loop3A_1005 : vector<16xi1>, vector<16xf32>
      %parallel_loop3A_1007 = arith.addf %parallel_loop3A_423, %parallel_loop3A_1006 : vector<16xf32>
      %parallel_loop3A_1008 = arith.constant 16 : i32
      %parallel_loop3A_1009 = arith.muli %parallel_loop3A_42, %parallel_loop3A_1008 : i32
      %parallel_loop3A_1010 = arith.constant 13 : i32
      %parallel_loop3A_1011 = arith.addi %parallel_loop3A_1009, %parallel_loop3A_1010 : i32
      %parallel_loop3A_1012 = arith.constant 16 : i32
      %parallel_loop3A_1013 = arith.muli %parallel_loop3A_1011, %parallel_loop3A_1012 : i32
      %parallel_loop3A_1014 = arith.index_cast %parallel_loop3A_1013 : i32 to index
      %parallel_loop3A_1015 = tpu.vector_load %arg8[%parallel_loop3A_1014] {strides = array<i32>} : memref<4096xi32, #tpu.memory_space<vmem>>, vector<16xi32>,
      %parallel_loop3A_1016 = vector.shape_cast %parallel_loop3A_1015 : vector<16xi32> to vector<16xi32>
      %parallel_loop3A_1017 = arith.index_cast %parallel_loop3A_1013 : i32 to index
      %parallel_loop3A_1018 = tpu.vector_load %arg6[%parallel_loop3A_1017] {strides = array<i32>} : memref<4096xf32, #tpu.memory_space<vmem>>, vector<16xf32>,
      %parallel_loop3A_1019 = vector.shape_cast %parallel_loop3A_1018 : vector<16xf32> to vector<16xf32>
      %parallel_loop3A_1020 = arith.index_cast %parallel_loop3A_1013 : i32 to index
      %parallel_loop3A_1021 = tpu.vector_load %arg7[%parallel_loop3A_1020] {strides = array<i32>} : memref<4096xf32, #tpu.memory_space<vmem>>, vector<16xf32>,
      %parallel_loop3A_1022 = vector.shape_cast %parallel_loop3A_1021 : vector<16xf32> to vector<16xf32>
      %parallel_loop3A_1023 = arith.subf %parallel_loop3A_1022, %parallel_loop3A_1019 : vector<16xf32>
      %parallel_loop3A_1024 = arith.constant 0.000000e+00 : f32
      %parallel_loop3A_1025 = vector.broadcast %parallel_loop3A_1024 : f32 to vector<16xf32>
      %parallel_loop3A_1026 = arith.maximumf %parallel_loop3A_1023, %parallel_loop3A_1025 : vector<16xf32>
      %parallel_loop3A_1027 = arith.subf %parallel_loop3A_1026, %parallel_loop3A_1023 : vector<16xf32>
      %parallel_loop3A_1028 = arith.constant 1 : i32
      %parallel_loop3A_1029 = vector.broadcast %parallel_loop3A_1028 : i32 to vector<16xi32>
      %parallel_loop3A_1030 = arith.cmpi eq, %parallel_loop3A_1016, %parallel_loop3A_1029 : vector<16xi32>
      %parallel_loop3A_1031 = arith.select %parallel_loop3A_1030, %parallel_loop3A_1027, %parallel_loop3A_1026 : vector<16xi1>, vector<16xf32>
      %parallel_loop3A_1032 = arith.constant 0.000000e+00 : f32
      %parallel_loop3A_1033 = vector.broadcast %parallel_loop3A_1032 : f32 to vector<16xf32>
      %parallel_loop3A_1034 = arith.subf %parallel_loop3A_1033, %parallel_loop3A_1023 : vector<16xf32>
      %parallel_loop3A_1035 = arith.minimumf %parallel_loop3A_1023, %parallel_loop3A_1034 : vector<16xf32>
      %parallel_loop3A_1036 = math.exp %parallel_loop3A_1035 : vector<16xf32>
      %parallel_loop3A_1037 = arith.constant 0.0101190833 : f32
      %parallel_loop3A_1038 = vector.broadcast %parallel_loop3A_1037 : f32 to vector<16xf32>
      %parallel_loop3A_1039 = arith.mulf %parallel_loop3A_1038, %parallel_loop3A_1036 : vector<16xf32>
      %parallel_loop3A_1040 = arith.constant -0.0526248515 : f32
      %parallel_loop3A_1041 = vector.broadcast %parallel_loop3A_1040 : f32 to vector<16xf32>
      %parallel_loop3A_1042 = arith.addf %parallel_loop3A_1039, %parallel_loop3A_1041 : vector<16xf32>
      %parallel_loop3A_1043 = arith.mulf %parallel_loop3A_1042, %parallel_loop3A_1036 : vector<16xf32>
      %parallel_loop3A_1044 = arith.constant 0.130765036 : f32
      %parallel_loop3A_1045 = vector.broadcast %parallel_loop3A_1044 : f32 to vector<16xf32>
      %parallel_loop3A_1046 = arith.addf %parallel_loop3A_1043, %parallel_loop3A_1045 : vector<16xf32>
      %parallel_loop3A_1047 = arith.mulf %parallel_loop3A_1046, %parallel_loop3A_1036 : vector<16xf32>
      %parallel_loop3A_1048 = arith.constant -0.222836256 : f32
      %parallel_loop3A_1049 = vector.broadcast %parallel_loop3A_1048 : f32 to vector<16xf32>
      %parallel_loop3A_1050 = arith.addf %parallel_loop3A_1047, %parallel_loop3A_1049 : vector<16xf32>
      %parallel_loop3A_1051 = arith.mulf %parallel_loop3A_1050, %parallel_loop3A_1036 : vector<16xf32>
      %parallel_loop3A_1052 = arith.constant 0.32697311 : f32
      %parallel_loop3A_1053 = vector.broadcast %parallel_loop3A_1052 : f32 to vector<16xf32>
      %parallel_loop3A_1054 = arith.addf %parallel_loop3A_1051, %parallel_loop3A_1053 : vector<16xf32>
      %parallel_loop3A_1055 = arith.mulf %parallel_loop3A_1054, %parallel_loop3A_1036 : vector<16xf32>
      %parallel_loop3A_1056 = arith.constant -0.499206573 : f32
      %parallel_loop3A_1057 = vector.broadcast %parallel_loop3A_1056 : f32 to vector<16xf32>
      %parallel_loop3A_1058 = arith.addf %parallel_loop3A_1055, %parallel_loop3A_1057 : vector<16xf32>
      %parallel_loop3A_1059 = arith.mulf %parallel_loop3A_1058, %parallel_loop3A_1036 : vector<16xf32>
      %parallel_loop3A_1060 = arith.constant 0.999957501 : f32
      %parallel_loop3A_1061 = vector.broadcast %parallel_loop3A_1060 : f32 to vector<16xf32>
      %parallel_loop3A_1062 = arith.addf %parallel_loop3A_1059, %parallel_loop3A_1061 : vector<16xf32>
      %parallel_loop3A_1063 = arith.mulf %parallel_loop3A_1062, %parallel_loop3A_1036 : vector<16xf32>
      %parallel_loop3A_1064 = arith.constant 5.62195908E-7 : f32
      %parallel_loop3A_1065 = vector.broadcast %parallel_loop3A_1064 : f32 to vector<16xf32>
      %parallel_loop3A_1066 = arith.addf %parallel_loop3A_1063, %parallel_loop3A_1065 : vector<16xf32>
      %parallel_loop3A_1067 = arith.addf %parallel_loop3A_1031, %parallel_loop3A_1066 : vector<16xf32>
      %parallel_loop3A_1068 = arith.constant -1 : i32
      %parallel_loop3A_1069 = vector.broadcast %parallel_loop3A_1068 : i32 to vector<16xi32>
      %parallel_loop3A_1070 = arith.cmpi ne, %parallel_loop3A_1016, %parallel_loop3A_1069 : vector<16xi32>
      %parallel_loop3A_1071 = arith.constant 0.000000e+00 : f32
      %parallel_loop3A_1072 = vector.broadcast %parallel_loop3A_1071 : f32 to vector<16xf32>
      %parallel_loop3A_1073 = arith.select %parallel_loop3A_1070, %parallel_loop3A_1067, %parallel_loop3A_1072 : vector<16xi1>, vector<16xf32>
      %parallel_loop3A_1074 = arith.addf %parallel_loop3A_490, %parallel_loop3A_1073 : vector<16xf32>
      %parallel_loop3A_1075 = arith.constant 1.000000e+00 : f32
      %parallel_loop3A_1076 = arith.constant 0.000000e+00 : f32
      %parallel_loop3A_1077 = vector.broadcast %parallel_loop3A_1075 : f32 to vector<16xf32>
      %parallel_loop3A_1078 = vector.broadcast %parallel_loop3A_1076 : f32 to vector<16xf32>
      %parallel_loop3A_1079 = arith.select %parallel_loop3A_1070, %parallel_loop3A_1077, %parallel_loop3A_1078 : vector<16xi1>, vector<16xf32>
      %parallel_loop3A_1080 = arith.addf %parallel_loop3A_496, %parallel_loop3A_1079 : vector<16xf32>
      %parallel_loop3A_1081 = arith.constant 16 : i32
      %parallel_loop3A_1082 = arith.muli %parallel_loop3A_42, %parallel_loop3A_1081 : i32
      %parallel_loop3A_1083 = arith.constant 14 : i32
      %parallel_loop3A_1084 = arith.addi %parallel_loop3A_1082, %parallel_loop3A_1083 : i32
      %parallel_loop3A_1085 = arith.constant 16 : i32
      %parallel_loop3A_1086 = arith.muli %parallel_loop3A_1084, %parallel_loop3A_1085 : i32
      %parallel_loop3A_1087 = arith.index_cast %parallel_loop3A_1086 : i32 to index
      %parallel_loop3A_1088 = tpu.vector_load %arg8[%parallel_loop3A_1087] {strides = array<i32>} : memref<4096xi32, #tpu.memory_space<vmem>>, vector<16xi32>,
      %parallel_loop3A_1089 = vector.shape_cast %parallel_loop3A_1088 : vector<16xi32> to vector<16xi32>
      %parallel_loop3A_1090 = arith.index_cast %parallel_loop3A_1086 : i32 to index
      %parallel_loop3A_1091 = tpu.vector_load %arg6[%parallel_loop3A_1090] {strides = array<i32>} : memref<4096xf32, #tpu.memory_space<vmem>>, vector<16xf32>,
      %parallel_loop3A_1092 = vector.shape_cast %parallel_loop3A_1091 : vector<16xf32> to vector<16xf32>
      %parallel_loop3A_1093 = arith.index_cast %parallel_loop3A_1086 : i32 to index
      %parallel_loop3A_1094 = tpu.vector_load %arg7[%parallel_loop3A_1093] {strides = array<i32>} : memref<4096xf32, #tpu.memory_space<vmem>>, vector<16xf32>,
      %parallel_loop3A_1095 = vector.shape_cast %parallel_loop3A_1094 : vector<16xf32> to vector<16xf32>
      %parallel_loop3A_1096 = arith.subf %parallel_loop3A_1095, %parallel_loop3A_1092 : vector<16xf32>
      %parallel_loop3A_1097 = arith.constant 0.000000e+00 : f32
      %parallel_loop3A_1098 = vector.broadcast %parallel_loop3A_1097 : f32 to vector<16xf32>
      %parallel_loop3A_1099 = arith.maximumf %parallel_loop3A_1096, %parallel_loop3A_1098 : vector<16xf32>
      %parallel_loop3A_1100 = arith.subf %parallel_loop3A_1099, %parallel_loop3A_1096 : vector<16xf32>
      %parallel_loop3A_1101 = arith.constant 1 : i32
      %parallel_loop3A_1102 = vector.broadcast %parallel_loop3A_1101 : i32 to vector<16xi32>
      %parallel_loop3A_1103 = arith.cmpi eq, %parallel_loop3A_1089, %parallel_loop3A_1102 : vector<16xi32>
      %parallel_loop3A_1104 = arith.select %parallel_loop3A_1103, %parallel_loop3A_1100, %parallel_loop3A_1099 : vector<16xi1>, vector<16xf32>
      %parallel_loop3A_1105 = arith.constant 0.000000e+00 : f32
      %parallel_loop3A_1106 = vector.broadcast %parallel_loop3A_1105 : f32 to vector<16xf32>
      %parallel_loop3A_1107 = arith.subf %parallel_loop3A_1106, %parallel_loop3A_1096 : vector<16xf32>
      %parallel_loop3A_1108 = arith.minimumf %parallel_loop3A_1096, %parallel_loop3A_1107 : vector<16xf32>
      %parallel_loop3A_1109 = math.exp %parallel_loop3A_1108 : vector<16xf32>
      %parallel_loop3A_1110 = arith.constant 0.0101190833 : f32
      %parallel_loop3A_1111 = vector.broadcast %parallel_loop3A_1110 : f32 to vector<16xf32>
      %parallel_loop3A_1112 = arith.mulf %parallel_loop3A_1111, %parallel_loop3A_1109 : vector<16xf32>
      %parallel_loop3A_1113 = arith.constant -0.0526248515 : f32
      %parallel_loop3A_1114 = vector.broadcast %parallel_loop3A_1113 : f32 to vector<16xf32>
      %parallel_loop3A_1115 = arith.addf %parallel_loop3A_1112, %parallel_loop3A_1114 : vector<16xf32>
      %parallel_loop3A_1116 = arith.mulf %parallel_loop3A_1115, %parallel_loop3A_1109 : vector<16xf32>
      %parallel_loop3A_1117 = arith.constant 0.130765036 : f32
      %parallel_loop3A_1118 = vector.broadcast %parallel_loop3A_1117 : f32 to vector<16xf32>
      %parallel_loop3A_1119 = arith.addf %parallel_loop3A_1116, %parallel_loop3A_1118 : vector<16xf32>
      %parallel_loop3A_1120 = arith.mulf %parallel_loop3A_1119, %parallel_loop3A_1109 : vector<16xf32>
      %parallel_loop3A_1121 = arith.constant -0.222836256 : f32
      %parallel_loop3A_1122 = vector.broadcast %parallel_loop3A_1121 : f32 to vector<16xf32>
      %parallel_loop3A_1123 = arith.addf %parallel_loop3A_1120, %parallel_loop3A_1122 : vector<16xf32>
      %parallel_loop3A_1124 = arith.mulf %parallel_loop3A_1123, %parallel_loop3A_1109 : vector<16xf32>
      %parallel_loop3A_1125 = arith.constant 0.32697311 : f32
      %parallel_loop3A_1126 = vector.broadcast %parallel_loop3A_1125 : f32 to vector<16xf32>
      %parallel_loop3A_1127 = arith.addf %parallel_loop3A_1124, %parallel_loop3A_1126 : vector<16xf32>
      %parallel_loop3A_1128 = arith.mulf %parallel_loop3A_1127, %parallel_loop3A_1109 : vector<16xf32>
      %parallel_loop3A_1129 = arith.constant -0.499206573 : f32
      %parallel_loop3A_1130 = vector.broadcast %parallel_loop3A_1129 : f32 to vector<16xf32>
      %parallel_loop3A_1131 = arith.addf %parallel_loop3A_1128, %parallel_loop3A_1130 : vector<16xf32>
      %parallel_loop3A_1132 = arith.mulf %parallel_loop3A_1131, %parallel_loop3A_1109 : vector<16xf32>
      %parallel_loop3A_1133 = arith.constant 0.999957501 : f32
      %parallel_loop3A_1134 = vector.broadcast %parallel_loop3A_1133 : f32 to vector<16xf32>
      %parallel_loop3A_1135 = arith.addf %parallel_loop3A_1132, %parallel_loop3A_1134 : vector<16xf32>
      %parallel_loop3A_1136 = arith.mulf %parallel_loop3A_1135, %parallel_loop3A_1109 : vector<16xf32>
      %parallel_loop3A_1137 = arith.constant 5.62195908E-7 : f32
      %parallel_loop3A_1138 = vector.broadcast %parallel_loop3A_1137 : f32 to vector<16xf32>
      %parallel_loop3A_1139 = arith.addf %parallel_loop3A_1136, %parallel_loop3A_1138 : vector<16xf32>
      %parallel_loop3A_1140 = arith.addf %parallel_loop3A_1104, %parallel_loop3A_1139 : vector<16xf32>
      %parallel_loop3A_1141 = arith.constant -1 : i32
      %parallel_loop3A_1142 = vector.broadcast %parallel_loop3A_1141 : i32 to vector<16xi32>
      %parallel_loop3A_1143 = arith.cmpi ne, %parallel_loop3A_1089, %parallel_loop3A_1142 : vector<16xi32>
      %parallel_loop3A_1144 = arith.constant 0.000000e+00 : f32
      %parallel_loop3A_1145 = vector.broadcast %parallel_loop3A_1144 : f32 to vector<16xf32>
      %parallel_loop3A_1146 = arith.select %parallel_loop3A_1143, %parallel_loop3A_1140, %parallel_loop3A_1145 : vector<16xi1>, vector<16xf32>
      %parallel_loop3A_1147 = arith.addf %parallel_loop3A_563, %parallel_loop3A_1146 : vector<16xf32>
      %parallel_loop3A_1148 = arith.constant 1.000000e+00 : f32
      %parallel_loop3A_1149 = arith.constant 0.000000e+00 : f32
      %parallel_loop3A_1150 = vector.broadcast %parallel_loop3A_1148 : f32 to vector<16xf32>
      %parallel_loop3A_1151 = vector.broadcast %parallel_loop3A_1149 : f32 to vector<16xf32>
      %parallel_loop3A_1152 = arith.select %parallel_loop3A_1143, %parallel_loop3A_1150, %parallel_loop3A_1151 : vector<16xi1>, vector<16xf32>
      %parallel_loop3A_1153 = arith.addf %parallel_loop3A_569, %parallel_loop3A_1152 : vector<16xf32>
      %parallel_loop3A_1154 = arith.constant 16 : i32
      %parallel_loop3A_1155 = arith.muli %parallel_loop3A_42, %parallel_loop3A_1154 : i32
      %parallel_loop3A_1156 = arith.constant 15 : i32
      %parallel_loop3A_1157 = arith.addi %parallel_loop3A_1155, %parallel_loop3A_1156 : i32
      %parallel_loop3A_1158 = arith.constant 16 : i32
      %parallel_loop3A_1159 = arith.muli %parallel_loop3A_1157, %parallel_loop3A_1158 : i32
      %parallel_loop3A_1160 = arith.index_cast %parallel_loop3A_1159 : i32 to index
      %parallel_loop3A_1161 = tpu.vector_load %arg8[%parallel_loop3A_1160] {strides = array<i32>} : memref<4096xi32, #tpu.memory_space<vmem>>, vector<16xi32>,
      %parallel_loop3A_1162 = vector.shape_cast %parallel_loop3A_1161 : vector<16xi32> to vector<16xi32>
      %parallel_loop3A_1163 = arith.index_cast %parallel_loop3A_1159 : i32 to index
      %parallel_loop3A_1164 = tpu.vector_load %arg6[%parallel_loop3A_1163] {strides = array<i32>} : memref<4096xf32, #tpu.memory_space<vmem>>, vector<16xf32>,
      %parallel_loop3A_1165 = vector.shape_cast %parallel_loop3A_1164 : vector<16xf32> to vector<16xf32>
      %parallel_loop3A_1166 = arith.index_cast %parallel_loop3A_1159 : i32 to index
      %parallel_loop3A_1167 = tpu.vector_load %arg7[%parallel_loop3A_1166] {strides = array<i32>} : memref<4096xf32, #tpu.memory_space<vmem>>, vector<16xf32>,
      %parallel_loop3A_1168 = vector.shape_cast %parallel_loop3A_1167 : vector<16xf32> to vector<16xf32>
      %parallel_loop3A_1169 = arith.subf %parallel_loop3A_1168, %parallel_loop3A_1165 : vector<16xf32>
      %parallel_loop3A_1170 = arith.constant 0.000000e+00 : f32
      %parallel_loop3A_1171 = vector.broadcast %parallel_loop3A_1170 : f32 to vector<16xf32>
      %parallel_loop3A_1172 = arith.maximumf %parallel_loop3A_1169, %parallel_loop3A_1171 : vector<16xf32>
      %parallel_loop3A_1173 = arith.subf %parallel_loop3A_1172, %parallel_loop3A_1169 : vector<16xf32>
      %parallel_loop3A_1174 = arith.constant 1 : i32
      %parallel_loop3A_1175 = vector.broadcast %parallel_loop3A_1174 : i32 to vector<16xi32>
      %parallel_loop3A_1176 = arith.cmpi eq, %parallel_loop3A_1162, %parallel_loop3A_1175 : vector<16xi32>
      %parallel_loop3A_1177 = arith.select %parallel_loop3A_1176, %parallel_loop3A_1173, %parallel_loop3A_1172 : vector<16xi1>, vector<16xf32>
      %parallel_loop3A_1178 = arith.constant 0.000000e+00 : f32
      %parallel_loop3A_1179 = vector.broadcast %parallel_loop3A_1178 : f32 to vector<16xf32>
      %parallel_loop3A_1180 = arith.subf %parallel_loop3A_1179, %parallel_loop3A_1169 : vector<16xf32>
      %parallel_loop3A_1181 = arith.minimumf %parallel_loop3A_1169, %parallel_loop3A_1180 : vector<16xf32>
      %parallel_loop3A_1182 = math.exp %parallel_loop3A_1181 : vector<16xf32>
      %parallel_loop3A_1183 = arith.constant 0.0101190833 : f32
      %parallel_loop3A_1184 = vector.broadcast %parallel_loop3A_1183 : f32 to vector<16xf32>
      %parallel_loop3A_1185 = arith.mulf %parallel_loop3A_1184, %parallel_loop3A_1182 : vector<16xf32>
      %parallel_loop3A_1186 = arith.constant -0.0526248515 : f32
      %parallel_loop3A_1187 = vector.broadcast %parallel_loop3A_1186 : f32 to vector<16xf32>
      %parallel_loop3A_1188 = arith.addf %parallel_loop3A_1185, %parallel_loop3A_1187 : vector<16xf32>
      %parallel_loop3A_1189 = arith.mulf %parallel_loop3A_1188, %parallel_loop3A_1182 : vector<16xf32>
      %parallel_loop3A_1190 = arith.constant 0.130765036 : f32
      %parallel_loop3A_1191 = vector.broadcast %parallel_loop3A_1190 : f32 to vector<16xf32>
      %parallel_loop3A_1192 = arith.addf %parallel_loop3A_1189, %parallel_loop3A_1191 : vector<16xf32>
      %parallel_loop3A_1193 = arith.mulf %parallel_loop3A_1192, %parallel_loop3A_1182 : vector<16xf32>
      %parallel_loop3A_1194 = arith.constant -0.222836256 : f32
      %parallel_loop3A_1195 = vector.broadcast %parallel_loop3A_1194 : f32 to vector<16xf32>
      %parallel_loop3A_1196 = arith.addf %parallel_loop3A_1193, %parallel_loop3A_1195 : vector<16xf32>
      %parallel_loop3A_1197 = arith.mulf %parallel_loop3A_1196, %parallel_loop3A_1182 : vector<16xf32>
      %parallel_loop3A_1198 = arith.constant 0.32697311 : f32
      %parallel_loop3A_1199 = vector.broadcast %parallel_loop3A_1198 : f32 to vector<16xf32>
      %parallel_loop3A_1200 = arith.addf %parallel_loop3A_1197, %parallel_loop3A_1199 : vector<16xf32>
      %parallel_loop3A_1201 = arith.mulf %parallel_loop3A_1200, %parallel_loop3A_1182 : vector<16xf32>
      %parallel_loop3A_1202 = arith.constant -0.499206573 : f32
      %parallel_loop3A_1203 = vector.broadcast %parallel_loop3A_1202 : f32 to vector<16xf32>
      %parallel_loop3A_1204 = arith.addf %parallel_loop3A_1201, %parallel_loop3A_1203 : vector<16xf32>
      %parallel_loop3A_1205 = arith.mulf %parallel_loop3A_1204, %parallel_loop3A_1182 : vector<16xf32>
      %parallel_loop3A_1206 = arith.constant 0.999957501 : f32
      %parallel_loop3A_1207 = vector.broadcast %parallel_loop3A_1206 : f32 to vector<16xf32>
      %parallel_loop3A_1208 = arith.addf %parallel_loop3A_1205, %parallel_loop3A_1207 : vector<16xf32>
      %parallel_loop3A_1209 = arith.mulf %parallel_loop3A_1208, %parallel_loop3A_1182 : vector<16xf32>
      %parallel_loop3A_1210 = arith.constant 5.62195908E-7 : f32
      %parallel_loop3A_1211 = vector.broadcast %parallel_loop3A_1210 : f32 to vector<16xf32>
      %parallel_loop3A_1212 = arith.addf %parallel_loop3A_1209, %parallel_loop3A_1211 : vector<16xf32>
      %parallel_loop3A_1213 = arith.addf %parallel_loop3A_1177, %parallel_loop3A_1212 : vector<16xf32>
      %parallel_loop3A_1214 = arith.constant -1 : i32
      %parallel_loop3A_1215 = vector.broadcast %parallel_loop3A_1214 : i32 to vector<16xi32>
      %parallel_loop3A_1216 = arith.cmpi ne, %parallel_loop3A_1162, %parallel_loop3A_1215 : vector<16xi32>
      %parallel_loop3A_1217 = arith.constant 0.000000e+00 : f32
      %parallel_loop3A_1218 = vector.broadcast %parallel_loop3A_1217 : f32 to vector<16xf32>
      %parallel_loop3A_1219 = arith.select %parallel_loop3A_1216, %parallel_loop3A_1213, %parallel_loop3A_1218 : vector<16xi1>, vector<16xf32>
      %parallel_loop3A_1220 = arith.addf %parallel_loop3A_636, %parallel_loop3A_1219 : vector<16xf32>
      %parallel_loop3A_1221 = arith.constant 1.000000e+00 : f32
      %parallel_loop3A_1222 = arith.constant 0.000000e+00 : f32
      %parallel_loop3A_1223 = vector.broadcast %parallel_loop3A_1221 : f32 to vector<16xf32>
      %parallel_loop3A_1224 = vector.broadcast %parallel_loop3A_1222 : f32 to vector<16xf32>
      %parallel_loop3A_1225 = arith.select %parallel_loop3A_1216, %parallel_loop3A_1223, %parallel_loop3A_1224 : vector<16xi1>, vector<16xf32>
      %parallel_loop3A_1226 = arith.addf %parallel_loop3A_642, %parallel_loop3A_1225 : vector<16xf32>
      scf.yield %parallel_loop3A_709, %parallel_loop3A_782, %parallel_loop3A_855, %parallel_loop3A_928, %parallel_loop3A_1001, %parallel_loop3A_1074, %parallel_loop3A_1147, %parallel_loop3A_1220, %parallel_loop3A_715, %parallel_loop3A_788, %parallel_loop3A_861, %parallel_loop3A_934, %parallel_loop3A_1007, %parallel_loop3A_1080, %parallel_loop3A_1153, %parallel_loop3A_1226 : vector<16xf32>, vector<16xf32>, vector<16xf32>, vector<16xf32>, vector<16xf32>, vector<16xf32>, vector<16xf32>, vector<16xf32>, vector<16xf32>, vector<16xf32>, vector<16xf32>, vector<16xf32>, vector<16xf32>, vector<16xf32>, vector<16xf32>, vector<16xf32>
    } {sc.loop_unroll_factor = 1 : i64, sc.parallel_access}
    %add3A_17 = arith.addf %parallel_loop3A_16#0, %parallel_loop3A_16#1 : vector<16xf32>
    %add3A_18 = arith.addf %add3A_17, %parallel_loop3A_16#2 : vector<16xf32>
    %add3A_19 = arith.addf %add3A_18, %parallel_loop3A_16#3 : vector<16xf32>
    %add3A_20 = arith.addf %add3A_19, %parallel_loop3A_16#4 : vector<16xf32>
    %add3A_21 = arith.addf %add3A_20, %parallel_loop3A_16#5 : vector<16xf32>
    %add3A_22 = arith.addf %add3A_21, %parallel_loop3A_16#6 : vector<16xf32>
    %add3A_23 = arith.addf %add3A_22, %parallel_loop3A_16#7 : vector<16xf32>
    %add3A_24 = arith.addf %parallel_loop3A_16#8, %parallel_loop3A_16#9 : vector<16xf32>
    %add3A_25 = arith.addf %add3A_24, %parallel_loop3A_16#10 : vector<16xf32>
    %add3A_26 = arith.addf %add3A_25, %parallel_loop3A_16#11 : vector<16xf32>
    %add3A_27 = arith.addf %add3A_26, %parallel_loop3A_16#12 : vector<16xf32>
    %add3A_28 = arith.addf %add3A_27, %parallel_loop3A_16#13 : vector<16xf32>
    %add3A_29 = arith.addf %add3A_28, %parallel_loop3A_16#14 : vector<16xf32>
    %add3A_30 = arith.addf %add3A_29, %parallel_loop3A_16#15 : vector<16xf32>
    %swap3A = arith.constant 0 : index
    %swap3A_31 = tpu.vector_load %arg9[%swap3A] {strides = array<i32>} : memref<32xf32, #tpu.memory_space<vmem>>, vector<16xf32>,
    %swap3A_32 = vector.shape_cast %swap3A_31 : vector<16xf32> to vector<16xf32>
    %swap3A_33 = vector.shape_cast %add3A_23 : vector<16xf32> to vector<16xf32>
    tpu.vector_store %arg9[%swap3A], %swap3A_33 {strides = array<i32>} : memref<32xf32, #tpu.memory_space<vmem>>, vector<16xf32>,
    %swap3A_34 = arith.constant 16 : index
    %swap3A_35 = tpu.vector_load %arg9[%swap3A_34] {strides = array<i32>} : memref<32xf32, #tpu.memory_space<vmem>>, vector<16xf32>,
    %swap3A_36 = vector.shape_cast %swap3A_35 : vector<16xf32> to vector<16xf32>
    %swap3A_37 = vector.shape_cast %add3A_30 : vector<16xf32> to vector<16xf32>
    tpu.vector_store %arg9[%swap3A_34], %swap3A_37 {strides = array<i32>} : memref<32xf32, #tpu.memory_space<vmem>>, vector<16xf32>,
    %mul3A_38 = arith.constant 2 : i32
    %mul3A_39 = arith.muli %add3A, %mul3A_38 : i32
    %mul3A_40 = arith.constant 16 : i32
    %mul3A_41 = arith.muli %mul3A_39, %mul3A_40 : i32
    "tpu.region"() ({
      %run_scoped3A = tpu.sem_alloc : memref<!tpu.dma_semaphore, #tpu.memory_space<semaphore_mem>>
      %dma_start3A_42 = tpu.memref_slice %arg5[%mul3A_41] : memref<1024xf32, #tpu.memory_space<hbm>> -> memref<32xf32, #tpu.memory_space<hbm>>
      %dma_start3A_43 = tpu.memref_slice %arg5[%mul3A_41] : memref<1024xf32, #tpu.memory_space<hbm>> -> memref<32xf32, #tpu.memory_space<hbm>>
      tpu.enqueue_dma source(%arg9 : memref<32xf32, #tpu.memory_space<vmem>>) target(%dma_start3A_43 : memref<32xf32, #tpu.memory_space<hbm>>) target_semaphore(%run_scoped3A : memref<!tpu.dma_semaphore, #tpu.memory_space<semaphore_mem>>)
      %dma_wait3A_44 = tpu.memref_slice %arg5[%mul3A_41] : memref<1024xf32, #tpu.memory_space<hbm>> -> memref<32xf32, #tpu.memory_space<hbm>>
      %dma_wait3A_45 = tpu.memref_slice %arg5[%mul3A_41] : memref<1024xf32, #tpu.memory_space<hbm>> -> memref<32xf32, #tpu.memory_space<hbm>>
      tpu.wait_dma2 semaphore(%run_scoped3A : memref<!tpu.dma_semaphore, #tpu.memory_space<semaphore_mem>>) src(%arg9 : memref<32xf32, #tpu.memory_space<vmem>>) dst(%dma_wait3A_45 : memref<32xf32, #tpu.memory_space<hbm>>)
      tpu.yield
    }) : () -> ()
    return
  }
}

module attributes {stable_mosaic.version = 14 : i64} {
  func.func @_tc_body(%arg0: memref<1024x128xf32, #tpu.memory_space<vmem>>, %arg1: memref<1024x128xf32, #tpu.memory_space<vmem>>, %arg2: memref<1024x128xi32, #tpu.memory_space<vmem>>, %arg3: memref<1x2xf32, #tpu.memory_space<smem>>) attributes {dimension_semantics = [], scalar_prefetch = 0 : i64, scratch_operands = 0 : i64, tpu.core_type = #tpu.core_type<tc>} {
    %get3A = arith.constant 0 : index
    %get3A_0 = arith.constant 0 : index
    %get3A_1 = vector.load %arg0[%get3A, %get3A_0] : memref<1024x128xf32, #tpu.memory_space<vmem>>, vector<1024x128xf32>
    %get3A_2 = arith.constant 0 : index
    %get3A_3 = arith.constant 0 : index
    %get3A_4 = vector.load %arg1[%get3A_2, %get3A_3] : memref<1024x128xf32, #tpu.memory_space<vmem>>, vector<1024x128xf32>
    %get3A_5 = arith.constant 0 : index
    %get3A_6 = arith.constant 0 : index
    %get3A_7 = vector.load %arg2[%get3A_5, %get3A_6] : memref<1024x128xi32, #tpu.memory_space<vmem>>, vector<1024x128xi32>
    %sub3A = arith.subf %get3A_4, %get3A_1 : vector<1024x128xf32>
    %max3A = arith.constant 0.000000e+00 : f32
    %max3A_8 = vector.broadcast %max3A : f32 to vector<1024x128xf32>
    %max3A_9 = arith.maximumf %sub3A, %max3A_8 : vector<1024x128xf32>
    %eq3A = arith.constant 1 : i32
    %eq3A_10 = vector.broadcast %eq3A : i32 to vector<1024x128xi32>
    %eq3A_11 = arith.cmpi eq, %get3A_7, %eq3A_10 : vector<1024x128xi32>
    %sub3A_12 = arith.subf %max3A_9, %sub3A : vector<1024x128xf32>
    %select_n3A = arith.select %eq3A_11, %sub3A_12, %max3A_9 : vector<1024x128xi1>, vector<1024x128xf32>
    %abs3A = math.absf %sub3A : vector<1024x128xf32>
    %neg3A = arith.constant 0.000000e+00 : f32
    %neg3A_13 = vector.broadcast %neg3A : f32 to vector<1024x128xf32>
    %neg3A_14 = arith.subf %neg3A_13, %abs3A : vector<1024x128xf32>
    %exp3A = math.exp %neg3A_14 : vector<1024x128xf32>
    %log1p3A = math.log1p %exp3A : vector<1024x128xf32>
    %add3A = arith.addf %select_n3A, %log1p3A : vector<1024x128xf32>
    %ne3A = arith.constant -1 : i32
    %ne3A_15 = vector.broadcast %ne3A : i32 to vector<1024x128xi32>
    %ne3A_16 = arith.cmpi ne, %get3A_7, %ne3A_15 : vector<1024x128xi32>
    %convert_element_type3A = arith.extui %ne3A_16 : vector<1024x128xi1> to vector<1024x128xi32>
    %convert_element_type3A_17 = arith.sitofp %convert_element_type3A : vector<1024x128xi32> to vector<1024x128xf32>
    %mul3A = arith.mulf %add3A, %convert_element_type3A_17 : vector<1024x128xf32>
    %reduce_sum3A = vector.shape_cast %mul3A : vector<1024x128xf32> to vector<1x1024x128xf32>
    %reduce_sum3A_18 = arith.constant dense<0.000000e+00> : vector<1xf32>
    %reduce_sum3A_19 = vector.multi_reduction <add>, %reduce_sum3A, %reduce_sum3A_18 [1, 2] : vector<1x1024x128xf32> to vector<1xf32>
    %reduce_sum3A_20 = vector.shape_cast %reduce_sum3A_19 : vector<1xf32> to vector<1x1x1xf32>
    %reduce_sum3A_21 = vector.extract %reduce_sum3A_20[0, 0, 0] : f32 from vector<1x1x1xf32>
    %swap3A = arith.constant 0 : index
    %swap3A_22 = arith.constant 0 : index
    %swap3A_23 = memref.load %arg3[%swap3A, %swap3A_22] : memref<1x2xf32, #tpu.memory_space<smem>>
    memref.store %reduce_sum3A_21, %arg3[%swap3A, %swap3A_22] : memref<1x2xf32, #tpu.memory_space<smem>>
    %reduce_sum3A_24 = vector.shape_cast %convert_element_type3A_17 : vector<1024x128xf32> to vector<1x1024x128xf32>
    %reduce_sum3A_25 = arith.constant dense<0.000000e+00> : vector<1xf32>
    %reduce_sum3A_26 = vector.multi_reduction <add>, %reduce_sum3A_24, %reduce_sum3A_25 [1, 2] : vector<1x1024x128xf32> to vector<1xf32>
    %reduce_sum3A_27 = vector.shape_cast %reduce_sum3A_26 : vector<1xf32> to vector<1x1x1xf32>
    %reduce_sum3A_28 = vector.extract %reduce_sum3A_27[0, 0, 0] : f32 from vector<1x1x1xf32>
    %swap3A_29 = arith.constant 0 : index
    %swap3A_30 = arith.constant 1 : index
    %swap3A_31 = memref.load %arg3[%swap3A_29, %swap3A_30] : memref<1x2xf32, #tpu.memory_space<smem>>
    memref.store %reduce_sum3A_28, %arg3[%swap3A_29, %swap3A_30] : memref<1x2xf32, #tpu.memory_space<smem>>
    return
  }
}

module attributes {stable_mosaic.version = 14 : i64} {
  func.func @_tc_fin(%arg0: memref<8x128xf32, #tpu.memory_space<vmem>>, %arg1: memref<1x2xf32, #tpu.memory_space<smem>>, %arg2: memref<1x1xf32, #tpu.memory_space<smem>>) attributes {dimension_semantics = [], scalar_prefetch = 0 : i64, scratch_operands = 0 : i64, tpu.core_type = #tpu.core_type<tc>} {
    %get3A = arith.constant 0 : index
    %get3A_0 = arith.constant 0 : index
    %get3A_1 = vector.load %arg0[%get3A, %get3A_0] : memref<8x128xf32, #tpu.memory_space<vmem>>, vector<8x128xf32>
    %iota3A = tpu.iota {dimensions = array<i32: 1>} : vector<8x128xi32>
    %jit3A = arith.constant 32 : i32
    %eq3A = arith.constant 0 : i32
    %eq3A_2 = arith.cmpi eq, %jit3A, %eq3A : i32
    %jit3A_3 = arith.constant 1 : i32
    %select_n3A = arith.select %eq3A_2, %jit3A_3, %jit3A : i32
    %rem3A = vector.broadcast %select_n3A : i32 to vector<8x128xi32>
    %rem3A_4 = arith.remsi %iota3A, %rem3A : vector<8x128xi32>
    %ne3A = arith.constant 0 : i32
    %ne3A_5 = vector.broadcast %ne3A : i32 to vector<8x128xi32>
    %ne3A_6 = arith.cmpi ne, %rem3A_4, %ne3A_5 : vector<8x128xi32>
    %lt3A = arith.constant 0 : i32
    %lt3A_7 = vector.broadcast %lt3A : i32 to vector<8x128xi32>
    %lt3A_8 = arith.cmpi slt, %rem3A_4, %lt3A_7 : vector<8x128xi32>
    %lt3A_9 = arith.constant 0 : i32
    %lt3A_10 = arith.cmpi slt, %select_n3A, %lt3A_9 : i32
    %ne3A_11 = vector.broadcast %lt3A_10 : i1 to vector<8x128xi1>
    %ne3A_12 = vector.broadcast %ne3A_11 : vector<8x128xi1> to vector<8x128xi1>
    %ne3A_13 = arith.xori %lt3A_8, %ne3A_12 : vector<8x128xi1>
    %and3A = arith.andi %ne3A_13, %ne3A_6 : vector<8x128xi1>
    %add3A = vector.broadcast %select_n3A : i32 to vector<8x128xi32>
    %add3A_14 = arith.addi %rem3A_4, %add3A : vector<8x128xi32>
    %select_n3A_15 = arith.select %and3A, %add3A_14, %rem3A_4 : vector<8x128xi1>, vector<8x128xi32>
    %lt3A_16 = arith.constant 16 : i32
    %lt3A_17 = vector.broadcast %lt3A_16 : i32 to vector<8x128xi32>
    %lt3A_18 = arith.cmpi slt, %select_n3A_15, %lt3A_17 : vector<8x128xi32>
    %jit3A_19 = arith.constant 0.000000e+00 : f32
    %broadcast_in_dim3A = vector.broadcast %jit3A_19 : f32 to vector<8x128xf32>
    %select_n3A_20 = arith.select %lt3A_18, %get3A_1, %broadcast_in_dim3A : vector<8x128xi1>, vector<8x128xf32>
    %reduce_sum3A = vector.shape_cast %select_n3A_20 : vector<8x128xf32> to vector<1x8x128xf32>
    %reduce_sum3A_21 = arith.constant dense<0.000000e+00> : vector<1xf32>
    %reduce_sum3A_22 = vector.multi_reduction <add>, %reduce_sum3A, %reduce_sum3A_21 [1, 2] : vector<1x8x128xf32> to vector<1xf32>
    %reduce_sum3A_23 = vector.shape_cast %reduce_sum3A_22 : vector<1xf32> to vector<1x1x1xf32>
    %reduce_sum3A_24 = vector.extract %reduce_sum3A_23[0, 0, 0] : f32 from vector<1x1x1xf32>
    %get3A_25 = arith.constant 0 : index
    %get3A_26 = arith.constant 0 : index
    %get3A_27 = memref.load %arg1[%get3A_25, %get3A_26] : memref<1x2xf32, #tpu.memory_space<smem>>
    %add3A_28 = arith.addf %reduce_sum3A_24, %get3A_27 : f32
    %jit3A_29 = arith.constant 0.000000e+00 : f32
    %broadcast_in_dim3A_30 = vector.broadcast %jit3A_29 : f32 to vector<8x128xf32>
    %select_n3A_31 = arith.select %lt3A_18, %broadcast_in_dim3A_30, %get3A_1 : vector<8x128xi1>, vector<8x128xf32>
    %reduce_sum3A_32 = vector.shape_cast %select_n3A_31 : vector<8x128xf32> to vector<1x8x128xf32>
    %reduce_sum3A_33 = arith.constant dense<0.000000e+00> : vector<1xf32>
    %reduce_sum3A_34 = vector.multi_reduction <add>, %reduce_sum3A_32, %reduce_sum3A_33 [1, 2] : vector<1x8x128xf32> to vector<1xf32>
    %reduce_sum3A_35 = vector.shape_cast %reduce_sum3A_34 : vector<1xf32> to vector<1x1x1xf32>
    %reduce_sum3A_36 = vector.extract %reduce_sum3A_35[0, 0, 0] : f32 from vector<1x1x1xf32>
    %get3A_37 = arith.constant 0 : index
    %get3A_38 = arith.constant 1 : index
    %get3A_39 = memref.load %arg1[%get3A_37, %get3A_38] : memref<1x2xf32, #tpu.memory_space<smem>>
    %add3A_40 = arith.addf %reduce_sum3A_36, %get3A_39 : f32
    %max3A = arith.constant 1.000000e+00 : f32
    %max3A_41 = arith.maximumf %add3A_40, %max3A : f32
    %div3A = arith.divf %add3A_28, %max3A_41 : f32
    %jit3A_42 = arith.constant 0.000000e+00 : f32
    %jit3A_43 = arith.constant 1.000000e+01 : f32
    %max3A_44 = arith.maximumf %jit3A_42, %div3A : f32
    %min3A = arith.minimumf %jit3A_43, %max3A_44 : f32
    %swap3A = arith.constant 0 : index
    %swap3A_45 = arith.constant 0 : index
    %swap3A_46 = memref.load %arg2[%swap3A, %swap3A_45] : memref<1x1xf32, #tpu.memory_space<smem>>
    memref.store %min3A, %arg2[%swap3A, %swap3A_45] : memref<1x1xf32, #tpu.memory_space<smem>>
    return
  }
}

</mosaic_0001>

<sc_bundles>
// kernel: kernel.5.cloned.1.call-start
scs
__scs_entry_jumppad:
0x0: {  	(pc) =	sbr.rel $0x88, $3  }
0x1: {  	(tag) =	ssettag $0x0;
	lr =	simm.s32 $0x1  }
0x2: {  	[smem:$0x3F9F] =	sst lr;
	_ =	strace $0xD0000000  }
0x3: {  	_ = 	snop  }
0x4: {  	_ = 	snop  }
0x5: {  	_ = 	snop  }
0x6: {  	_ = 	snop  }
0x7: {  	_ = 	snop  }
__scs_overlays_trampoline_lowered:
0x8: {  	[smem:$0x3FAE] =	sst s0  }
0x9: {  	[smem:$0x3FAF] =	sst s1  }
0xa: {  	[smem:$0x3FB0] =	sst s2  }
0xb: {  	[smem:$0x3FB1] =	sst s3  }
0xc: {  	[smem:$0x3FB2] =	sst s4  }
0xd: {  	[smem:$0x3FB3] =	sst s5  }
0xe: {  	[smem:$0x3FB4] =	sst s6  }
0xf: {  	[smem:$0x3FB5] =	sst s7  }
0x10: {  	[smem:$0x3FB6] =	sst s8  }
0x11: {  	[smem:$0x3FB7] =	sst s9;
	s0 =	simm.s32 @!p0 $0x0  }
0x12: {  	s1 =	sld [smem:$0x3F9D];
	s0 =	simm.s32 @p0 $0x1  }
0x13: {  	[smem:$0x3FB8] =	sst s0;
	s0 =	simm.s32 @!p1 $0x0  }
0x14: {  	s2 =	sld [smem:$0x3F9C];
	s0 =	simm.s32 @p1 $0x1  }
0x15: {  	[smem:$0x3FB9] =	sst s0;
	s0 =	simm.s32 @!p2 $0x0  }
0x16: {  	s3 =	sld [smem:$0x3FDB];
	s0 =	simm.s32 @p2 $0x1  }
0x17: {  	s4 =	simm.s32 $0x1BF5;
	[smem:$0x3FBB] =	sst s0  }
0x18: {  	s0 =	sld [smem:$0x3F9E];
	_ =	swait.ge [sflag:s4], $0x0  }
0x19: {  	s7 =	sld [smem:$0x3F9F]  }
0x1a: {  	s8 =	sadd.s32 $0xFFFFE003, lr  }
0x1b: {  	s9 =	sadd.s32 $0xFFFFFEF7, lr;
	s5 =	simm.s32 $0xFFFFFFFF;
	p2 =	slt.u32 s8, $0xFFFFF086  }
0x1c: {  	p1 =	slt.u32 s9, $0xF7A;
	s5 =	simm.s32 @!p2 $0x0  }
0x1d: {  	s5 =	simm.s32 @p1 $0x1;
	p0 =	seq.s32 s7, s2  }
0x1e: {  	s7 =	smul.u32 @!p0 $0xF7A, s2;
	p2 =	seq.s32 @!p0 s5, $0x0  }
0x1f: {  	s9 =	smul.u32 $0xF7A, s1;
	s8 =	simm.s32 @!p0 $0x1BF5;
	p2 =	por !p2, p0  }
0x20: {  	[sflag:s8] =	ssyncset.s32 @!p0 $0xFFFFF086;
	s6 =	sadd.s32 @!p0 s3, s7;
	s7 =	simm.s32 @!p0 $0x108  }
0x21: {  	s3 =	sadd.s32 s3, s9;
	s6 =	sadd.s32 @!p0 $0x88, s6;
	s7 =	simm.s32 @p2 $0x1082  }
0x22: {  	[simem:s7], [sflag:s8] =	dma.local @!p0 [hbm:s6], $0xF7A  }
0x23: {  	s9 =	sor.u32 $0xD0000000, s2;
	s6 =	simm.s32 $0x108;
	_ =	swait.ge @!p0 [sflag:s8], $0x0  }
0x24: {  	s3 =	sadd.s32 $0x88, s3;
	s6 =	simm.s32 @!p1 $0x1082;
	[sflag:s4] =	ssyncset.s32 $0xFFFFF086  }
0x25: {  	[simem:s6], [sflag:s4] =	dma.local [hbm:s3], $0xF7A  }
0x26: {  	[smem:$0x3F9F] =	sst s1;
	(tag) =	ssettag s2;
	_ =	strace s9  }
0x27: {  	s1 =	sld [smem:$0x3FAF]  }
0x28: {  	s2 =	sld [smem:$0x3FB0]  }
0x29: {  	s4 =	sld [smem:$0x3FB2]  }
0x2a: {  	p0 =	seq.s32 s5, $0x0;
	s5 =	sld [smem:$0x3FB3]  }
0x2b: {  	s6 =	sld [smem:$0x3FB4]  }
0x2c: {  	s7 =	sld [smem:$0x3FB5]  }
0x2d: {  	s3 =	simm.s32 $0x108;
	s8 =	sld [smem:$0x3FB6]  }
0x2e: {  	s3 =	simm.s32 @!p0 $0x1082;
	s9 =	sld [smem:$0x3FB7]  }
0x2f: {  	lr =	sadd.s32 s0, s3;
	s0 =	sld [smem:$0x3FAE]  }
0x30: {  	s3 =	sld [smem:$0x3FB1]  }
0x31: {  	[smem:$0x3FBA] =	sst s10  }
0x32: {  	s10 =	sld [smem:$0x3FB8];
	_ =	sdelay $0x3  }
0x33: {  	p0 =	seq.s32 s10, $0x1;
	s10 =	sld [smem:$0x3FBA];
	_ =	sdelay $0x3  }
0x34: {  	[smem:$0x3FBA] =	sst s10  }
0x35: {  	s10 =	sld [smem:$0x3FB9];
	_ =	sdelay $0x3  }
0x36: {  	p1 =	seq.s32 s10, $0x1;
	s10 =	sld [smem:$0x3FBA];
	_ =	sdelay $0x3  }
0x37: {  	[smem:$0x3FBA] =	sst s10  }
0x38: {  	s10 =	sld [smem:$0x3FBB]  }
0x39: {  	_ = 	snop;
	(pc) =	sbr.ind lr, $3  }
0x3a: {  	_ = 	snop  }
0x3b: {  	_ = 	snop  }
0x3c: {  	p2 =	seq.s32 s10, $0x1;
	s10 =	sld [smem:$0x3FBA]  }
0x3d: {  	_ =	shalt  }
0x3e: {  	_ =	shalt  }
0x3f: {  	_ =	shalt  }
0x40: {  	_ =	shalt  }
0x41: {  	_ =	shalt  }
0x42: {  	_ =	shalt  }
0x43: {  	_ =	shalt  }
0x44: {  	_ =	shalt  }
0x45: {  	_ =	shalt  }
0x46: {  	_ =	shalt  }
0x47: {  	_ =	shalt  }
0x48: {  	_ =	shalt  }
0x49: {  	_ =	shalt  }
0x4a: {  	_ =	shalt  }
0x4b: {  	_ =	shalt  }
0x4c: {  	_ =	shalt  }
0x4d: {  	_ =	shalt  }
0x4e: {  	_ =	shalt  }
0x4f: {  	_ =	shalt  }
0x50: {  	_ =	shalt  }
0x51: {  	_ =	shalt  }
0x52: {  	_ =	shalt  }
0x53: {  	_ =	shalt  }
0x54: {  	_ =	shalt  }
0x55: {  	_ =	shalt  }
0x56: {  	_ =	shalt  }
0x57: {  	_ =	shalt  }
0x58: {  	_ =	shalt  }
0x59: {  	_ =	shalt  }
0x5a: {  	_ =	shalt  }
0x5b: {  	_ =	shalt  }
0x5c: {  	_ =	shalt  }
0x5d: {  	_ =	shalt  }
0x5e: {  	_ =	shalt  }
0x5f: {  	_ =	shalt  }
0x60: {  	_ =	shalt  }
0x61: {  	_ =	shalt  }
0x62: {  	_ =	shalt  }
0x63: {  	_ =	shalt  }
0x64: {  	_ =	shalt  }
0x65: {  	_ =	shalt  }
0x66: {  	_ =	shalt  }
0x67: {  	_ =	shalt  }
0x68: {  	_ =	shalt  }
0x69: {  	_ =	shalt  }
0x6a: {  	_ =	shalt  }
0x6b: {  	_ =	shalt  }
0x6c: {  	_ =	shalt  }
0x6d: {  	_ =	shalt  }
0x6e: {  	_ =	shalt  }
0x6f: {  	_ =	shalt  }
0x70: {  	_ =	shalt  }
0x71: {  	_ =	shalt  }
0x72: {  	_ =	shalt  }
0x73: {  	_ =	shalt  }
0x74: {  	_ =	shalt  }
0x75: {  	_ =	shalt  }
0x76: {  	_ =	shalt  }
0x77: {  	_ =	shalt  }
0x78: {  	_ =	shalt  }
0x79: {  	_ =	shalt  }
0x7a: {  	_ =	shalt  }
0x7b: {  	_ =	shalt  }
0x7c: {  	_ =	shalt  }
0x7d: {  	_ =	shalt  }
0x7e: {  	_ =	shalt  }
0x7f: {  	_ =	shalt  }
0x80: {  	_ =	shalt  }
0x81: {  	_ =	shalt  }
0x82: {  	_ =	shalt  }
0x83: {  	_ =	shalt  }
0x84: {  	_ =	shalt  }
0x85: {  	_ =	shalt  }
0x86: {  	_ =	shalt  }
0x87: {  	_ =	shalt  }
.Lfunc_end0:
.L_simem_size_0:
called_computation_lowered:
.L_overlay_start_0:
0x88: {  	s2 =	sld [smem:$0x3FD9]  }
0x89: {  	s3 =	sld [smem:$0x3FFE];
	_ =	sdelay $0x1  }
0x8a: {  	s1 =	srdreg.scid  }
0x8b: {  	s0 =	sand.u32 $0x1, s1  }
0x8c: {  	s16 =	sshll.u32 s0, $0xA;
	s2 =	sadd.s32 s3, s2  }
0x8d: {  	s2 =	sadd.s32 s2, s16  }
0x8e: {  	[smem:$0x3FC6] =	sst s2  }
0x8f: {  	_ = 	snop  }
0x90: {  	(tm) =	ssettm $0x1  }
0x91: {  	s17 =	sld [smem:$0x3FFB];
	_ =	sdelay $0x3  }
0x92: {  	_ =	strace s17  }
0x93: {  	s2 =	sld [smem:$0x3FFC];
	_ =	sdelay $0x3  }
0x94: {  	_ =	strace s2  }
0x95: {  	s2 =	sld [smem:$0x3FFD];
	_ =	sdelay $0x3  }
0x96: {  	_ =	strace s2  }
0x97: {  	_ =	strace $0x8FFFFFFF  }
0x98: {  	s18 =	sld [smem:$0x3FDB];
	_ =	sdelay $0x1  }
0x99: {  	s19 =	simm.s32 $_scs_section_size  }
0x9a: {  	s4 =	simm.s32 $_size__tile_overlayer_lowered;
	s5 =	simm.s32 $_tile_overlayer_lowered  }
0x9b: {  	s22 =	simm.s32 $0x1BFF;
	s21 =	sshll.u32 s5, $0x1;
	s2 =	sadd.s32 s19, s18  }
0x9c: {  	s6 =	simm.s32 $0x0;
	s20 =	sshll.u32 s4, $0x1;
	s4 =	sadd.s32 s21, s2  }
0x9d: {  	[timem:s6], [sflag:s22] =	dma.local [hbm:s4], s20  }
0x9e: {  	_ =	swait.ge [sflag:s22], s20  }
0x9f: {  	s3 =	ssub.s32 $0x0, s20;
	[sflag:s22] =	ssyncset.done $0x0  }
0xa0: {  	[sflag:s22] =	ssyncadd.s32 s3;
	_ =	sdelay $0x1  }
0xa1: {  	s23 =	simm.s32 $0x1B8B  }
0xa2: {  	_ =	swait.ge [sflag:s23], $0x1  }
0xa3: {  	[sflag:s23] =	ssyncset.done $0x0  }
0xa4: {  	s25 =	simm.s32 $0x1B8E;
	s24 =	sld [smem:$0x3FFE];
	[sflag:s23] =	ssyncadd.s32 $0xFFFFFFFF  }
0xa5: {  	s26 =	simm.s32 $execute0_lowered;
	[smem:$0x3FD2] =	sst s25  }
0xa6: {  	s4 =	sshll.u32 s26, $0x1;
	_ =	strace $0x80000046;
	[dreg:$0x1] =	wrdreg $0xFFFFFFFF  }
0xa7: {  	s28 =	simm.s32 $_size_execute0_lowered;
	s2 =	sadd.s32 s2, s4;
	[dreg:$0x0] =	wrdreg $0x0  }
0xa8: {  	s4 =	sshll.u32 s28, $0x1;
	[dreg:$0x2] =	wrdreg s2  }
0xa9: {  	[dreg:$0x3] =	wrdreg s4  }
0xaa: {  	[dreg:$0x4] =	wrdreg $0xC0  }
0xab: {  	_ =	task [dreg:s6], $0x5FFFF  }
0xac: {  	[dreg:$0x1] =	wrdreg $0xFFFFFFFF  }
0xad: {  	[dreg:$0x0] =	wrdreg $0x60  }
0xae: {  	[dreg:$0x2] =	wrdreg s24  }
0xaf: {  	[dreg:$0x3] =	wrdreg $0x9  }
0xb0: {  	_ =	task.clear_ibuf [dreg:s6], $0x4FFFF;
	_ =	strace $0x90000046  }
0xb1: {  	s29 =	simm.s32 $0x9;
	_ =	strace $0x80000048  }
0xb2: {  	_ =	swait.ge [sflag:s29], $0x1  }
0xb3: {  	[sflag:s29] =	ssyncadd.s32 $0xFFFFFFFF  }
0xb4: {  	_ =	strace $0x90000048  }
0xb5: {  	_ =	sfence  }
0xb6: {  	s30 =	sld [smem:$0x0];
	_ =	sdelay $0x2  }
0xb7: {  	s31 =	sshll.u32 s1, $0xD;
	s1 =	sshrl.u32 s1, $0x2  }
0xb8: {  	s3 =	sand.u32 $0x4000, s31;
	s1 =	sadd.s32 s1, s30  }
0xb9: {  	s0 =	sor.u32 s3, s0;
	s1 =	sshll.u32 s1, $0x11  }
0xba: {  	s0 =	sor.u32 s1, s0  }
0xbb: {  	s0 =	sadd.s32 $0x8F2B, s0  }
0xbc: {  	[sflag:s0] =	ssyncadd.remote.s32 $0x1  }
0xbd: {  	_ =	sfence.sel $0xFFFF  }
0xbe: {  	[dreg:$0x0] =	wrdreg $0xFFFFFFFF;
	(pc) =	sbr.abs _section_cstart, $3  }
0xbf: {  	[dreg:$0x1] =	wrdreg $0xFFFFFFFF  }
0xc0: {  	_ =	task.clear_ibuf [dreg:s6], $0x2FFFF;
	_ =	strace $0x9FFFFFFF  }
0xc1: {  	(tm) =	ssettm $0x7FFFFFFF  }
tec
execute0_lowered:
.L_overlay_start_1:
0x0: {  	(tag) =	ssettag $0x1  }
0x1: {  	s3 =	rddreg [dreg:$0x0]  }
0x2: {  	s0 =	rddreg [dreg:$0x1];
	s4 =	srdreg.scid  }
0x3: {  	s1 =	stileid.u32;
	s2 =	simm.s32 $0x0;
	s9 =	simm.s32 $0x2000  }
0x4: {  	s10 =	simm.s32 $0x1;
	s11 =	simm.s32 $0x2;
	s12 =	simm.s32 $0x3  }
0x5: {  	s13 =	simm.s32 $0x3000;
	s14 =	simm.s32 $0x4;
	s15 =	simm.s32 $0x0  }
0x6: {  	s4 =	sand.u32 $0x1, s4;
	s5 =	sshll.u32 s1, $0x1;
	[smem:$0x7FF] =	sst s2  }
0x7: {  	s5 =	sor.u32 s4, s5;
	_ =	strace $0x80000047;
	s4 =	ssub.s32 $0x2, s4  }
0x8: {  	s6 =	sshll.u32 s5, $0x9;
	s5 =	sshll.u32 s5, $0x2;
	s7 =	sshrl.u32 s4, $0x1  }
0x9: {  	s6 =	sadd.s32 s6, s3;
	s8 =	sadd.s32 s5, s3;
	s7 =	ssub.s32 s4, s7  }
0xa: {  	s3 =	sadd.s32 $0x4E00, s6;
	s4 =	sadd.s32 $0xE00, s6;
	s5 =	sadd.s32 $0x8E00, s6  }
0xb: {  	v0 =	vimm.f32 $1.000000000e+00;
	s6 =	sadd.s32 $0xCE00, s8;
	s7 =	smax.u32 s7, $0x1;
	s8 =	simm.s32 $0x1000  }
.LBB2_1:
0xc: {  	[tilespmem:s2], [sflag:$0x1] =	stream.linear.gather [hbm4b:s3+s2], $0x1000, $0x38;
	[tilespmem:$0x3080] =	vst v63  }
0xd: {  	_ = 	snop  }
0xe: {  	[tilespmem:s8], [sflag:$0x2] =	stream.linear.gather [hbm4b:s4+s2], $0x1000, $0x38;
	[tilespmem:$0x3080] =	vst v63  }
0xf: {  	_ = 	snop  }
0x10: {  	[tilespmem:s9], [sflag:$0x3] =	stream.linear.gather [hbm4b:s5+s2], $0x1000, $0x38;
	[tilespmem:$0x3080] =	vst v63  }
0x11: {  	_ =	swait.ge [sflag:s10], $0x1000  }
0x12: {  	[sflag:s10] =	ssyncset.done $0x0  }
0x13: {  	[sflag:s10] =	ssyncadd.s32 $0xFFFFF000  }
0x14: {  	_ =	swait.ge [sflag:s11], $0x1000  }
0x15: {  	[sflag:s11] =	ssyncset.done $0x0  }
0x16: {  	[sflag:s11] =	ssyncadd.s32 $0xFFFFF000  }
0x17: {  	_ =	swait.ge [sflag:s12], $0x1000  }
0x18: {  	[sflag:s12] =	ssyncset.done $0x0  }
0x19: {  	s16 =	simm.s32 $0x0;
	[sflag:s12] =	ssyncadd.s32 $0xFFFFF000  }
0x1a: {  	v1 =	vld [tilespmem:s16+$0x2080]  }
0x1b: {  	v2 =	vld [tilespmem:s16+$0x2090]  }
0x1c: {  	v3 =	vld [tilespmem:s16+$0x20A0]  }
0x1d: {  	v4 =	vld [tilespmem:s16+$0x20B0]  }
0x1e: {  	v5 =	vld [tilespmem:s16+$0x20C0]  }
0x1f: {  	v6 =	vld [tilespmem:s16+$0x20D0]  }
0x20: {  	v7 =	vld [tilespmem:s16+$0x20E0]  }
0x21: {  	v30 =	vld [tilespmem:s16+$0x20F0]  }
0x22: {  	v29 =	vld [tilespmem:s16+$0x2000]  }
0x23: {  	v31 =	vld [tilespmem:s16+$0x2010]  }
0x24: {  	v35 =	vld [tilespmem:s16+$0x2030]  }
0x25: {  	v33 =	vld [tilespmem:s16+$0x2060]  }
0x26: {  	v8 =	vld [tilespmem:s16+$0x80]  }
0x27: {  	v9 =	vld [tilespmem:s16+$0x1080]  }
0x28: {  	v10 =	vld [tilespmem:s16+$0x90]  }
0x29: {  	v11 =	vld [tilespmem:s16+$0x1090]  }
0x2a: {  	v12 =	vld [tilespmem:s16+$0xA0]  }
0x2b: {  	v13 =	vld [tilespmem:s16+$0x10A0]  }
0x2c: {  	v14 =	vld [tilespmem:s16+$0xB0]  }
0x2d: {  	v15 =	vld [tilespmem:s16+$0x10B0]  }
0x2e: {  	v16 =	vld [tilespmem:s16+$0xC0]  }
0x2f: {  	v17 =	vld [tilespmem:s16+$0x10C0]  }
0x30: {  	v18 =	vld [tilespmem:s16+$0xD0]  }
0x31: {  	v19 =	vld [tilespmem:s16+$0x10D0]  }
0x32: {  	v20 =	vld [tilespmem:s16+$0xE0]  }
0x33: {  	v21 =	vld [tilespmem:s16+$0x10E0]  }
0x34: {  	v28 =	vimm.s32 $0x0;
	v22 =	vld [tilespmem:s16+$0xF0]  }
0x35: {  	v37 =	vimm.s32 $0x0;
	v52 =	vimm.s32 $0x0;
	v23 =	vld [tilespmem:s16+$0x10F0];
	vm8 =	veq.s32 v1, $0xFFFFFFFF  }
0x36: {  	v24 =	vld [tilespmem:s16+$0x0];
	vm1 =	veq.s32 v2, $0xFFFFFFFF;
	vm0 =	veq.s32 v3, $0xFFFFFFFF;
	vm7 =	veq.s32 v4, $0xFFFFFFFF  }
0x37: {  	v25 =	vld [tilespmem:s16+$0x1000];
	vm11 =	veq.s32 v29, $0xFFFFFFFF;
	vm15 =	veq.s32 v30, $0xFFFFFFFF;
	v8 =	vsub.f32 v9, v8  }
0x38: {  	v26 =	vld [tilespmem:s16+$0x10];
	[tilespmem:$0x1FEE0] =	vst v30;
	vm13 =	veq.s32 v31, $0xFFFFFFFF;
	v30 =	vimm.s32 $0x0;
	v10 =	vsub.f32 v11, v10  }
0x39: {  	v27 =	vld [tilespmem:s16+$0x1010];
	v12 =	vsub.f32 v13, v12;
	v28 =	vsel vm0, $0xFFFFFFFF, v28;
	vm0 =	veq.s32 v7, $0xFFFFFFFF  }
0x3a: {  	v51 =	vld [tilespmem:s16+$0x1040];
	v37 =	vsel vm0, $0xFFFFFFFF, v37;
	vm0 =	veq.s32 v35, $0xFFFFFFFF;
	v11 =	vmax.f32 v8, $0.0e+00  }
0x3b: {  	v53 =	vld [tilespmem:s16+$0x50];
	[tilespmem:$0x1FF00] =	vst v29;
	v30 =	vsel vm0, $0xFFFFFFFF, v30;
	v13 =	vsub.f32 v11, v8;
	vm0 =	veq.s32 v33, $0xFFFFFFFF  }
0x3c: {  	[tilespmem:$0x1FFC0] =	vst v33;
	v29 =	vld [tilespmem:s16+$0x1020];
	v33 =	vsel vm0, $0xFFFFFFFF, v52;
	vm0 =	veq.s32 v1, $0x1;
	v1 =	vmax.f32 v10, $0.0e+00  }
0x3d: {  	v9 =	vld [tilespmem:s16+$0x30];
	v54 =	vmax.f32 v12, $0.0e+00;
	v55 =	vsub.f32 v1, v10;
	v41 =	vsel vm0, v13, v11  }
0x3e: {  	[tilespmem:$0x1FF20] =	vst v31;
	v31 =	vld [tilespmem:s16+$0x40];
	vm0 =	veq.s32 v2, $0x1;
	v11 =	vsub.f32 v15, v14;
	v13 =	vsub.f32 v54, v12  }
0x3f: {  	[tilespmem:$0x1FCE0] =	vst v28;
	v28 =	vld [tilespmem:s16+$0x20];
	v15 =	vsub.f32 v19, v18;
	v42 =	vsel vm0, v55, v1;
	vm0 =	veq.s32 v3, $0x1  }
0x40: {  	[tilespmem:$0x1FD90] =	vst v30;
	v30 =	vld [tilespmem:s16+$0x1030];
	v3 =	vsub.f32 v17, v16;
	v16 =	vmax.f32 v11, $0.0e+00;
	v13 =	vsel vm0, v13, v54  }
0x41: {  	vm4 =	veq.s32 v5, $0xFFFFFFFF;
	v2 =	vld [tilespmem:s16+$0x1050];
	v17 =	vsub.f32 v16, v11;
	[tilespmem:$0x1FCA0] =	vst v13;
	v13 =	vsub.f32 v21, v20  }
0x42: {  	v36 =	vld [tilespmem:s16+$0x2040];
	vm14 =	veq.s32 v6, $0xFFFFFFFF;
	v21 =	vsub.f32 v23, v22;
	v22 =	vsub.f32 v25, v24  }
0x43: {  	v19 =	vmax.f32 v3, $0.0e+00;
	v23 =	vsub.f32 v27, v26;
	v24 =	vsub.f32 v51, v31  }
0x44: {  	v14 =	vld [tilespmem:s16+$0x1060];
	vm0 =	veq.s32 v4, $0x1;
	v27 =	vsub.f32 $0.0e+00, v3;
	v20 =	vsub.f32 v19, v3  }
0x45: {  	v1 =	vld [tilespmem:s16+$0x60];
	v46 =	vsel vm0, v17, v16;
	vm0 =	veq.s32 v5, $0x1;
	v5 =	vsub.f32 v29, v28  }
0x46: {  	v16 =	vsub.f32 v30, v9;
	v9 =	vmax.f32 v15, $0.0e+00;
	v25 =	vsub.f32 v2, v53  }
0x47: {  	vm10 =	veq.s32 v36, $0xFFFFFFFF;
	v18 =	vld [tilespmem:s16+$0x1070];
	v2 =	vsub.f32 v9, v15;
	v28 =	vsub.f32 $0.0e+00, v22  }
0x48: {  	[tilespmem:$0x1FD40] =	vst v37;
	v4 =	vld [tilespmem:s16+$0x70];
	v29 =	vsub.f32 $0.0e+00, v21;
	v37 =	vmax.f32 v22, $0.0e+00;
	v30 =	vsub.f32 $0.0e+00, v23  }
0x49: {  	v38 =	vmax.f32 v23, $0.0e+00;
	v58 =	vsub.f32 $0.0e+00, v24;
	v3 =	vmin.f32 v3, v27  }
0x4a: {  	v45 =	vsel vm0, v20, v19;
	vm0 =	veq.s32 v6, $0x1;
	v14 =	vsub.f32 v14, v1  }
0x4b: {  	v1 =	vmax.f32 v13, $0.0e+00;
	v56 =	vsub.f32 $0.0e+00, v5;
	v57 =	vsub.f32 $0.0e+00, v16  }
0x4c: {  	v39 =	vmax.f32 v5, $0.0e+00;
	v59 =	vsub.f32 $0.0e+00, v25;
	v31 =	vmax.f32 v16, $0.0e+00  }
0x4d: {  	v20 =	vmax.f32 v25, $0.0e+00;
	v49 =	vsub.f32 v37, v22;
	v18 =	vsub.f32 v18, v4  }
0x4e: {  	v4 =	vsub.f32 $0.0e+00, v8;
	v6 =	vsub.f32 v1, v13;
	v47 =	vsel vm0, v2, v9  }
0x4f: {  	vm0 =	veq.s32 v7, $0x1;
	v2 =	vsub.f32 $0.0e+00, v10;
	v7 =	vsub.f32 $0.0e+00, v12  }
0x50: {  	v9 =	vsub.f32 $0.0e+00, v11;
	v55 =	vsub.f32 v39, v5;
	v51 =	vsel vm0, v6, v1  }
0x51: {  	v1 =	vsub.f32 $0.0e+00, v15;
	v6 =	vsub.f32 $0.0e+00, v13;
	v4 =	vmin.f32 v8, v4  }
0x52: {  	v2 =	vmin.f32 v10, v2;
	v7 =	vmin.f32 v12, v7;
	v4 =	vmul.f32 $1.442695020e+00, v4  }
0x53: {  	v8 =	vmin.f32 v11, v9;
	v2 =	vmul.f32 $1.442695020e+00, v2;
	v7 =	vmul.f32 $1.442695020e+00, v7  }
0x54: {  	v1 =	vmin.f32 v15, v1;
	(erf) = vpow2.f32 v4;
	v4 =	vmul.f32 $1.442695020e+00, v8  }
0x55: {  	v54 =	vsub.f32 v31, v16;
	v1 =	vmul.f32 $1.442695020e+00, v1;
	(erf) = vpow2.f32 v2  }
0x56: {  	v2 =	vmul.f32 $1.442695020e+00, v3;
	v3 =	vmin.f32 v13, v6;
	(erf) = vpow2.f32 v7  }
0x57: {  	v3 =	vmul.f32 $1.442695020e+00, v3;
	(erf) = vpow2.f32 v4;
	v4 =	vmin.f32 v21, v29  }
0x58: {  	(erf) = vpow2.f32 v2;
	v2 =	vmin.f32 v22, v28;
	v4 =	vmul.f32 $1.442695020e+00, v4  }
0x59: {  	(erf) = vpow2.f32 v1;
	v1 =	vmul.f32 $1.442695020e+00, v2;
	v2 =	vmin.f32 v23, v30  }
0x5a: {  	(erf) = vpow2.f32 v3;
	v2 =	vmul.f32 $1.442695020e+00, v2;
	v3 =	vmin.f32 v5, v56  }
0x5b: {  	(erf) = vpow2.f32 v4;
	v3 =	vmul.f32 $1.442695020e+00, v3;
	v4 =	vmin.f32 v16, v57  }
0x5c: {  	(erf) = vpow2.f32 v1;
	v4 =	vmul.f32 $1.442695020e+00, v4;
	v1 =	vmin.f32 v24, v58  }
0x5d: {  	v43 =	vsub.f32 $0.0e+00, v14;
	v44 =	vsub.f32 $0.0e+00, v18;
	(erf) = vpow2.f32 v2  }
0x5e: {  	v6 =	vmin.f32 v25, v59;
	v63 =	vpop (erf);
	v2 =	vmul.f32 $1.442695020e+00, v1;
	(erf) = vpow2.f32 v3  }
0x5f: {  	v3 =	vmul.f32 $1.442695020e+00, v6;
	v6 =	vmin.f32 v14, v43;
	v1 =	vpop (erf);
	(erf) = vpow2.f32 v4  }
0x60: {  	v8 =	vmin.f32 v18, v44;
	v6 =	vmul.f32 $1.442695020e+00, v6;
	v4 =	vpop (erf);
	(erf) = vpow2.f32 v2  }
0x61: {  	v52 =	vsub.f32 v20, v25;
	v2 =	vmul.f32 $1.442695020e+00, v8;
	v11 =	vmul.f32 $1.011908330e-02, v1  }
0x62: {  	v19 =	vmax.f32 v18, $0.0e+00;
	v7 =	vpop (erf);
	(erf) = vpow2.f32 v3;
	v3 =	vmul.f32 $1.011908330e-02, v63  }
0x63: {  	v50 =	vsub.f32 v19, v18;
	v12 =	vmul.f32 $1.011908330e-02, v4;
	v9 =	vpop (erf);
	(erf) = vpow2.f32 v6  }
0x64: {  	v13 =	vmul.f32 $1.011908330e-02, v7;
	v11 =	vadd.f32 $-5.262485150e-02, v11;
	v10 =	vpop (erf);
	(erf) = vpow2.f32 v2  }
0x65: {  	v15 =	vmul.f32 $1.011908330e-02, v9;
	v3 =	vadd.f32 $-5.262485150e-02, v3;
	v12 =	vadd.f32 $-5.262485150e-02, v12;
	v2 =	vpop (erf)  }
0x66: {  	v13 =	vadd.f32 $-5.262485150e-02, v13;
	v11 =	vmul.f32 v11, v1;
	v16 =	vmul.f32 $1.011908330e-02, v2  }
0x67: {  	v6 =	vpop (erf);
	v15 =	vadd.f32 $-5.262485150e-02, v15;
	v29 =	vmul.f32 v3, v63;
	v12 =	vmul.f32 v12, v4  }
0x68: {  	v56 =	vsub.f32 v38, v23;
	v5 =	vpop (erf);
	v18 =	vmul.f32 $1.011908330e-02, v6;
	v13 =	vmul.f32 v13, v7  }
0x69: {  	v11 =	vadd.f32 $1.307650360e-01, v11;
	v8 =	vpop (erf);
	v16 =	vadd.f32 $-5.262485150e-02, v16;
	v15 =	vmul.f32 v15, v9  }
0x6a: {  	v12 =	vadd.f32 $1.307650360e-01, v12;
	v58 =	vpop (erf);
	v22 =	vmul.f32 $1.011908330e-02, v8;
	v18 =	vadd.f32 $-5.262485150e-02, v18  }
0x6b: {  	v13 =	vadd.f32 $1.307650360e-01, v13;
	v11 =	vmul.f32 v11, v1;
	v23 =	vmul.f32 $1.011908330e-02, v58  }
0x6c: {  	v59 =	vpop (erf);
	v16 =	vmul.f32 v16, v2;
	v15 =	vadd.f32 $1.307650360e-01, v15;
	v12 =	vmul.f32 v12, v4  }
0x6d: {  	v60 =	vpop (erf);
	v22 =	vadd.f32 $-5.262485150e-02, v22;
	v18 =	vmul.f32 v18, v6;
	v13 =	vmul.f32 v13, v7  }
0x6e: {  	v11 =	vadd.f32 $-2.228362560e-01, v11;
	v25 =	vmul.f32 $1.011908330e-02, v60;
	v23 =	vadd.f32 $-5.262485150e-02, v23  }
0x6f: {  	v62 =	vpop (erf);
	v16 =	vadd.f32 $1.307650360e-01, v16;
	v15 =	vmul.f32 v15, v9;
	v12 =	vadd.f32 $-2.228362560e-01, v12  }
0x70: {  	v27 =	vmul.f32 $1.011908330e-02, v62;
	v22 =	vmul.f32 v22, v8;
	v18 =	vadd.f32 $1.307650360e-01, v18  }
0x71: {  	v61 =	vpop (erf);
	v13 =	vadd.f32 $-2.228362560e-01, v13;
	v11 =	vmul.f32 v11, v1;
	v25 =	vadd.f32 $-5.262485150e-02, v25  }
0x72: {  	v3 =	vpop (erf);
	v23 =	vmul.f32 v23, v58;
	v16 =	vmul.f32 v16, v2;
	v15 =	vadd.f32 $-2.228362560e-01, v15  }
0x73: {  	v12 =	vmul.f32 v12, v4;
	v27 =	vadd.f32 $-5.262485150e-02, v27;
	v30 =	vmul.f32 $1.011908330e-02, v3  }
0x74: {  	v22 =	vadd.f32 $1.307650360e-01, v22;
	v18 =	vmul.f32 v18, v6;
	v25 =	vmul.f32 v25, v60  }
0x75: {  	[tilespmem:$0x1FF80] =	vst v36;
	v36 =	vadd.f32 $3.269731100e-01, v11;
	v23 =	vadd.f32 $1.307650360e-01, v23;
	v27 =	vmul.f32 v27, v62  }
0x76: {  	v16 =	vadd.f32 $-2.228362560e-01, v16;
	v15 =	vmul.f32 v15, v9;
	v25 =	vadd.f32 $1.307650360e-01, v25  }
0x77: {  	v32 =	vld [tilespmem:s16+$0x2050];
	v43 =	vadd.f32 $3.269731100e-01, v12;
	v22 =	vmul.f32 v22, v8;
	v27 =	vadd.f32 $1.307650360e-01, v27  }
0x78: {  	v30 =	vadd.f32 $-5.262485150e-02, v30;
	v23 =	vmul.f32 v23, v58;
	v25 =	vmul.f32 v25, v60  }
0x79: {  	v18 =	vadd.f32 $-2.228362560e-01, v18;
	v16 =	vmul.f32 v16, v2;
	v27 =	vmul.f32 v27, v62  }
0x7a: {  	v11 =	vadd.f32 $3.269731100e-01, v15;
	v30 =	vmul.f32 v30, v3;
	v25 =	vadd.f32 $-2.228362560e-01, v25  }
0x7b: {  	v22 =	vadd.f32 $-2.228362560e-01, v22;
	v40 =	vmul.f32 v18, v6;
	v27 =	vadd.f32 $-2.228362560e-01, v27  }
0x7c: {  	[tilespmem:$0x1FFA0] =	vst v32;
	v23 =	vadd.f32 $-2.228362560e-01, v23;
	v30 =	vadd.f32 $1.307650360e-01, v30;
	v44 =	vmul.f32 v25, v60  }
0x7d: {  	v34 =	vld [tilespmem:s16+$0x2020];
	[tilespmem:$0x1FCB0] =	vst v11;
	v18 =	vmul.f32 v22, v8;
	v22 =	vadd.f32 $3.269731100e-01, v16;
	v11 =	vmul.f32 v27, v62  }
0x7e: {  	[tilespmem:$0x1FDD0] =	vst v33;
	v27 =	vmul.f32 v43, v4;
	v43 =	vsel vm1, $0x0, v0;
	v16 =	vadd.f32 $3.269731100e-01, v44;
	v44 =	vld [tilespmem:$0x1FCE0]  }
0x7f: {  	v13 =	vmul.f32 v13, v7;
	v33 =	vmul.f32 v23, v58;
	[tilespmem:$0x1FCD0] =	vst v43;
	v43 =	vsel vm4, $0x0, v0  }
0x80: {  	v23 =	vadd.f32 $3.269731100e-01, v40;
	v40 =	vsel vm8, $0x0, v0;
	v30 =	vmul.f32 v30, v3;
	[tilespmem:$0x1FD10] =	vst v43;
	v43 =	vld [tilespmem:$0x1FD40]  }
0x81: {  	vm6 =	veq.s32 v32, $0xFFFFFFFF;
	[tilespmem:$0x1FCC0] =	vst v40;
	v40 =	vsel vm7, $0x0, v0  }
0x82: {  	v32 =	vadd.f32 $3.269731100e-01, v13;
	[tilespmem:$0x1FD00] =	vst v40;
	v40 =	vsel vm11, $0x0, v0;
	v30 =	vadd.f32 $-2.228362560e-01, v30  }
0x83: {  	vm12 =	veq.s32 v34, $0xFFFFFFFF;
	[tilespmem:$0x1FD30] =	vst v40;
	v40 =	vsel vm15, $0x0, v0;
	vm0 =	vnez.u8 v44  }
0x84: {  	v13 =	vmul.f32 v30, v3;
	v30 =	vmul.f32 v32, v7;
	vm2 =	vmmov vm0  }
0x85: {  	[tilespmem:$0x1FD70] =	vst v40;
	v40 =	vld [tilespmem:$0x1FD90];
	v32 =	vsel vm0, $0x0, v0;
	vm0 =	vnez.u8 v43;
	v43 =	vsel vm12, $0x0, v0  }
0x86: {  	[tilespmem:$0x1FD80] =	vst v43;
	v43 =	vsel vm10, $0x0, v0  }
0x87: {  	v44 =	vsel vm14, $0x0, v0;
	[tilespmem:$0x1FDB0] =	vst v43;
	v43 =	vld [tilespmem:$0x1FDD0]  }
0x88: {  	v17 =	vld [tilespmem:s16+$0x2070];
	[tilespmem:$0x1FD20] =	vst v44  }
0x89: {  	vm5 =	vmmov vm4;
	v44 =	vimm.s32 $0x0;
	[tilespmem:$0x1FCF0] =	vst v32;
	v32 =	vsel vm0, $0x0, v0  }
0x8a: {  	vm4 =	vnez.u8 v40;
	v40 =	vsel vm6, $0x0, v0;
	[tilespmem:$0x1FD50] =	vst v32;
	v32 =	vsel vm15, $0xFFFFFFFF, v44  }
0x8b: {  	[tilespmem:$0x1FDC0] =	vst v40;
	vm15 =	vmmov vm13;
	v44 =	vsel vm13, $0x0, v0;
	vm13 =	vmmov vm12  }
0x8c: {  	vm12 =	vmmov vm4;
	[tilespmem:$0x1FD60] =	vst v32;
	v32 =	vsel vm4, $0x0, v0;
	vm4 =	vnez.u8 v43  }
0x8d: {  	vm9 =	veq.s32 v17, $0xFFFFFFFF;
	v40 =	vimm.s32 $0x0;
	[tilespmem:$0x1FDA0] =	vst v32;
	v32 =	vsel vm4, $0x0, v0  }
0x8e: {  	[tilespmem:$0x1FDE0] =	vst v32;
	v32 =	vsel vm9, $0xFFFFFFFF, v40  }
0x8f: {  	[tilespmem:$0x1FDF0] =	vst v32;
	v32 =	vimm.f32 $0.0e+00  }
0x90: {  	[tilespmem:$0x1FE10] =	vst v32;
	v32 =	vimm.f32 $0.0e+00  }
0x91: {  	[tilespmem:$0x1FE20] =	vst v32;
	v32 =	vimm.f32 $0.0e+00  }
0x92: {  	[tilespmem:$0x1FE30] =	vst v32;
	v32 =	vimm.f32 $0.0e+00  }
0x93: {  	[tilespmem:$0x1FE40] =	vst v32;
	v32 =	vimm.f32 $0.0e+00  }
0x94: {  	[tilespmem:$0x1FE50] =	vst v32;
	v32 =	vimm.f32 $0.0e+00  }
0x95: {  	[tilespmem:$0x1FE60] =	vst v32;
	v32 =	vimm.f32 $0.0e+00  }
0x96: {  	[tilespmem:$0x1FE70] =	vst v32;
	v32 =	vimm.f32 $0.0e+00  }
0x97: {  	[tilespmem:$0x1FE80] =	vst v32;
	v32 =	vimm.f32 $0.0e+00  }
0x98: {  	[tilespmem:$0x1FE90] =	vst v32;
	v32 =	vimm.f32 $0.0e+00  }
0x99: {  	[tilespmem:$0x1FEA0] =	vst v32;
	v32 =	vimm.f32 $0.0e+00  }
0x9a: {  	[tilespmem:$0x1FEB0] =	vst v32;
	v32 =	vimm.f32 $0.0e+00  }
0x9b: {  	[tilespmem:$0x1FEC0] =	vst v32;
	v32 =	vimm.f32 $0.0e+00  }
0x9c: {  	[tilespmem:$0x1FED0] =	vst v32;
	v32 =	vld [tilespmem:$0x1FEE0];
	_ =	sdelay $0x4  }
0x9d: {  	v43 =	vsel vm9, $0x0, v0;
	vm9 =	veq.s32 v32, $0x1;
	v32 =	vimm.s32 $0x0  }
0x9e: {  	v32 =	vsel vm9, $0xFFFFFFFF, v32  }
0x9f: {  	[tilespmem:$0x1FEF0] =	vst v32;
	v32 =	vld [tilespmem:$0x1FF00];
	_ =	sdelay $0x4  }
0xa0: {  	vm9 =	veq.s32 v32, $0x1;
	v32 =	vimm.s32 $0x0  }
0xa1: {  	v32 =	vsel vm9, $0xFFFFFFFF, v32  }
0xa2: {  	[tilespmem:$0x1FF10] =	vst v32;
	v32 =	vld [tilespmem:$0x1FF20];
	_ =	sdelay $0x4  }
0xa3: {  	vm9 =	veq.s32 v32, $0x1;
	v32 =	vimm.s32 $0x0  }
0xa4: {  	[tilespmem:$0x1FF40] =	vst v34;
	v32 =	vsel vm9, $0xFFFFFFFF, v32  }
0xa5: {  	[tilespmem:$0x1FF30] =	vst v32;
	v32 =	vld [tilespmem:$0x1FF40];
	_ =	sdelay $0x4  }
0xa6: {  	vm9 =	veq.s32 v32, $0x1;
	v32 =	vimm.s32 $0x0  }
0xa7: {  	[tilespmem:$0x1FF60] =	vst v35;
	v32 =	vsel vm9, $0xFFFFFFFF, v32  }
0xa8: {  	[tilespmem:$0x1FF50] =	vst v32;
	v32 =	vld [tilespmem:$0x1FF60];
	_ =	sdelay $0x4  }
0xa9: {  	vm9 =	veq.s32 v32, $0x1;
	v32 =	vimm.s32 $0x0  }
0xaa: {  	v32 =	vsel vm9, $0xFFFFFFFF, v32  }
0xab: {  	[tilespmem:$0x1FF70] =	vst v32;
	v32 =	vld [tilespmem:$0x1FF80];
	_ =	sdelay $0x2  }
0xac: {  	[tilespmem:$0x1FFE0] =	vst v17;
	v17 =	vmax.f32 v14, $0.0e+00  }
0xad: {  	v53 =	vsub.f32 v17, v14  }
0xae: {  	v14 =	vmul.f32 $1.011908330e-02, v10;
	vm9 =	veq.s32 v32, $0x1;
	v32 =	vimm.s32 $0x0  }
0xaf: {  	v35 =	vmax.f32 v21, $0.0e+00;
	v26 =	vmax.f32 v24, $0.0e+00;
	v32 =	vsel vm9, $0xFFFFFFFF, v32  }
0xb0: {  	v57 =	vsub.f32 v35, v21;
	v14 =	vadd.f32 $-5.262485150e-02, v14;
	v21 =	vmul.f32 $1.011908330e-02, v5;
	[tilespmem:$0x1FF90] =	vst v32;
	v32 =	vld [tilespmem:$0x1FFA0]  }
0xb1: {  	v48 =	vsub.f32 v26, v24;
	v28 =	vmul.f32 $1.011908330e-02, v61  }
0xb2: {  	v14 =	vmul.f32 v14, v10;
	v21 =	vadd.f32 $-5.262485150e-02, v21;
	v24 =	vmul.f32 $1.011908330e-02, v59  }
0xb3: {  	v29 =	vadd.f32 $1.307650360e-01, v29;
	v28 =	vadd.f32 $-5.262485150e-02, v28  }
0xb4: {  	v14 =	vadd.f32 $1.307650360e-01, v14;
	v21 =	vmul.f32 v21, v5;
	v24 =	vadd.f32 $-5.262485150e-02, v24  }
0xb5: {  	v28 =	vmul.f32 v28, v61;
	vm9 =	veq.s32 v32, $0x1;
	v32 =	vimm.s32 $0x0  }
0xb6: {  	v29 =	vmul.f32 v29, v63;
	v21 =	vadd.f32 $1.307650360e-01, v21;
	v32 =	vsel vm9, $0xFFFFFFFF, v32  }
0xb7: {  	v14 =	vmul.f32 v14, v10;
	v24 =	vmul.f32 v24, v59;
	v28 =	vadd.f32 $1.307650360e-01, v28;
	[tilespmem:$0x1FFB0] =	vst v32;
	v32 =	vld [tilespmem:$0x1FFC0]  }
0xb8: {  	v29 =	vadd.f32 $-2.228362560e-01, v29;
	v21 =	vmul.f32 v21, v5  }
0xb9: {  	v14 =	vadd.f32 $-2.228362560e-01, v14;
	v24 =	vadd.f32 $1.307650360e-01, v24;
	v28 =	vmul.f32 v28, v61  }
0xba: {  	v29 =	vmul.f32 v29, v63;
	v21 =	vadd.f32 $-2.228362560e-01, v21  }
0xbb: {  	v14 =	vmul.f32 v14, v10;
	v24 =	vmul.f32 v24, v59;
	v28 =	vadd.f32 $-2.228362560e-01, v28  }
0xbc: {  	v21 =	vmul.f32 v21, v5;
	vm9 =	veq.s32 v32, $0x1;
	v32 =	vimm.s32 $0x0  }
0xbd: {  	v24 =	vadd.f32 $-2.228362560e-01, v24;
	v12 =	vmul.f32 v28, v61;
	v28 =	vld [tilespmem:$0x1FCB0];
	v32 =	vsel vm9, $0xFFFFFFFF, v32  }
0xbe: {  	vm3 =	vmmov vm8;
	v29 =	vadd.f32 $3.269731100e-01, v29;
	v21 =	vadd.f32 $3.269731100e-01, v21;
	[tilespmem:$0x1FFD0] =	vst v32;
	v32 =	vld [tilespmem:$0x1FFE0]  }
0xbf: {  	vm8 =	vmmov vm1;
	v34 =	vmul.f32 v24, v59;
	v24 =	vadd.f32 $3.269731100e-01, v14  }
0xc0: {  	v18 =	vadd.f32 $3.269731100e-01, v18;
	v15 =	vadd.f32 $3.269731100e-01, v33;
	v25 =	vmul.f32 v29, v63  }
0xc1: {  	v29 =	vmul.f32 v36, v1;
	v36 =	vimm.f32 $0.0e+00;
	v14 =	vadd.f32 $3.269731100e-01, v34  }
0xc2: {  	vm1 =	vmmov vm7;
	vm7 =	vmmov vm14;
	v28 =	vmul.f32 v28, v9  }
0xc3: {  	vm14 =	vmmov vm11;
	vm9 =	veq.s32 v32, $0x1;
	v32 =	vimm.s32 $0x0  }
0xc4: {  	vm11 =	vmmov vm0;
	vm0 =	vmmov vm10;
	[tilespmem:$0x1FE00] =	vst v43;
	v32 =	vsel vm9, $0xFFFFFFFF, v32  }
0xc5: {  	s16 =	simm.s32 $0x400;
	vm10 =	vmmov vm6;
	v43 =	vimm.f32 $0.0e+00;
	v40 =	vimm.f32 $0.0e+00;
	[tilespmem:$0x1FFF0] =	vst v32  }
.LBB2_2:
0xc6: {  	v24 =	vmul.f32 v24, v10  }
0xc7: {  	v21 =	vmul.f32 v21, v5;
	v12 =	vadd.f32 $3.269731100e-01, v12;
	v23 =	vmul.f32 v23, v6  }
0xc8: {  	v18 =	vmul.f32 v18, v8;
	v13 =	vadd.f32 $3.269731100e-01, v13;
	v25 =	vadd.f32 $-4.992065730e-01, v25  }
0xc9: {  	v15 =	vmul.f32 v15, v58;
	v29 =	vadd.f32 $-4.992065730e-01, v29;
	v27 =	vadd.f32 $-4.992065730e-01, v27  }
0xca: {  	v30 =	vadd.f32 $-4.992065730e-01, v30;
	v28 =	vadd.f32 $-4.992065730e-01, v28;
	v13 =	vmul.f32 v13, v3  }
0xcb: {  	v14 =	vmul.f32 v14, v59;
	v24 =	vadd.f32 $-4.992065730e-01, v24;
	v23 =	vadd.f32 $-4.992065730e-01, v23  }
0xcc: {  	v16 =	vmul.f32 v16, v60;
	v21 =	vadd.f32 $-4.992065730e-01, v21;
	v13 =	vadd.f32 $-4.992065730e-01, v13  }
0xcd: {  	v12 =	vmul.f32 v12, v61;
	v18 =	vadd.f32 $-4.992065730e-01, v18;
	v15 =	vadd.f32 $-4.992065730e-01, v15  }
0xce: {  	v14 =	vadd.f32 $-4.992065730e-01, v14;
	v25 =	vmul.f32 v25, v63;
	v13 =	vmul.f32 v13, v3  }
0xcf: {  	v16 =	vadd.f32 $-4.992065730e-01, v16;
	v29 =	vmul.f32 v29, v1;
	v30 =	vmul.f32 v30, v7  }
0xd0: {  	v28 =	vmul.f32 v28, v9;
	v12 =	vadd.f32 $-4.992065730e-01, v12;
	v13 =	vadd.f32 $9.999575010e-01, v13  }
0xd1: {  	v21 =	vmul.f32 v21, v5;
	v25 =	vadd.f32 $9.999575010e-01, v25;
	v14 =	vmul.f32 v14, v59  }
0xd2: {  	v16 =	vmul.f32 v16, v60;
	v30 =	vadd.f32 $9.999575010e-01, v30;
	v13 =	vmul.f32 v13, v3;
	v3 =	vld [tilespmem:$0x1FEF0]  }
0xd3: {  	v33 =	vld [tilespmem:$0x1FF10];
	v28 =	vadd.f32 $9.999575010e-01, v28;
	v21 =	vadd.f32 $9.999575010e-01, v21;
	v12 =	vmul.f32 v12, v61  }
0xd4: {  	v24 =	vmul.f32 v24, v10;
	v14 =	vadd.f32 $9.999575010e-01, v14;
	v16 =	vadd.f32 $9.999575010e-01, v16  }
0xd5: {  	v25 =	vmul.f32 v25, v63;
	v12 =	vadd.f32 $9.999575010e-01, v12;
	v21 =	vmul.f32 v21, v5  }
0xd6: {  	v24 =	vadd.f32 $9.999575010e-01, v24;
	v14 =	vmul.f32 v14, v59;
	v16 =	vmul.f32 v16, v60  }
0xd7: {  	v21 =	vadd.f32 $5.621959080e-07, v21;
	v12 =	vmul.f32 v12, v61;
	vm9 =	vnez.u8 v3  }
0xd8: {  	v60 =	vadd.f32 $5.621959080e-07, v14;
	v14 =	vsel vm9, v57, v35;
	vm9 =	vnez.u8 v33  }
0xd9: {  	v30 =	vmul.f32 v30, v7;
	v57 =	vadd.f32 $5.621959080e-07, v12;
	v12 =	vld [tilespmem:$0x1FF30];
	v49 =	vsel vm9, v49, v37  }
0xda: {  	v10 =	vmul.f32 v24, v10;
	v24 =	vadd.f32 $5.621959080e-07, v25;
	v21 =	vadd.f32 v21, v49  }
0xdb: {  	v18 =	vmul.f32 v18, v8;
	v29 =	vadd.f32 $9.999575010e-01, v29;
	v9 =	vmul.f32 v28, v9  }
0xdc: {  	v28 =	vadd.f32 $5.621959080e-07, v30;
	v24 =	vadd.f32 v24, v41;
	v21 =	vsel vm14, $0x0, v21  }
0xdd: {  	v27 =	vmul.f32 v27, v4;
	v30 =	vadd.f32 $5.621959080e-07, v10;
	v21 =	vadd.f32 v21, v36  }
0xde: {  	v18 =	vadd.f32 $9.999575010e-01, v18;
	v24 =	vsel vm3, $0x0, v24;
	vm9 =	vnez.u8 v12;
	v12 =	vld [tilespmem:$0x1FF50]  }
0xdf: {  	v30 =	vadd.f32 v30, v47;
	v47 =	vld [tilespmem:$0x1FD30];
	v21 =	vadd.f32 v24, v21  }
0xe0: {  	v23 =	vmul.f32 v23, v6;
	v27 =	vadd.f32 $9.999575010e-01, v27;
	v18 =	vmul.f32 v18, v8  }
0xe1: {  	v15 =	vmul.f32 v15, v58;
	v29 =	vmul.f32 v29, v1;
	[tilespmem:$0x1FC60] =	vst v21;
	v21 =	vld [tilespmem:$0x1FCC0]  }
0xe2: {  	v23 =	vadd.f32 $9.999575010e-01, v23;
	v27 =	vmul.f32 v27, v4;
	v18 =	vadd.f32 $5.621959080e-07, v18  }
0xe3: {  	v25 =	vadd.f32 $5.621959080e-07, v29;
	v56 =	vsel vm9, v56, v38;
	vm9 =	vnez.u8 v12;
	v12 =	vld [tilespmem:$0x1FCA0]  }
0xe4: {  	v40 =	vadd.f32 v47, v40;
	v18 =	vadd.f32 v18, v56  }
0xe5: {  	v15 =	vadd.f32 $9.999575010e-01, v15;
	v23 =	vmul.f32 v23, v6;
	v27 =	vadd.f32 $5.621959080e-07, v27  }
0xe6: {  	v25 =	vadd.f32 v25, v42;
	v18 =	vsel vm15, $0x0, v18;
	v21 =	vadd.f32 v21, v40  }
0xe7: {  	v15 =	vmul.f32 v15, v58;
	v61 =	vadd.f32 $5.621959080e-07, v13;
	v13 =	vld [tilespmem:$0x1FF90];
	v18 =	vadd.f32 v18, v43  }
0xe8: {  	v23 =	vadd.f32 $5.621959080e-07, v23;
	v27 =	vadd.f32 v27, v12;
	v12 =	vld [tilespmem:$0x1FF70];
	[tilespmem:$0x1FC70] =	vst v21;
	v21 =	vsel vm8, $0x0, v25  }
0xe9: {  	v15 =	vadd.f32 $5.621959080e-07, v15;
	v18 =	vadd.f32 v21, v18;
	v21 =	vld [tilespmem:$0x1FE20]  }
0xea: {  	v11 =	vadd.f32 $3.269731100e-01, v11;
	v23 =	vadd.f32 v23, v14;
	v14 =	vld [tilespmem:$0x1FFB0];
	v39 =	vsel vm9, v55, v39  }
0xeb: {  	v22 =	vmul.f32 v22, v2;
	v39 =	vadd.f32 v15, v39  }
0xec: {  	v11 =	vmul.f32 v11, v62  }
0xed: {  	v22 =	vadd.f32 $-4.992065730e-01, v22;
	v25 =	vsel vm13, $0x0, v39;
	vm9 =	vnez.u8 v12  }
0xee: {  	v34 =	vld [tilespmem:$0x1FE40];
	v31 =	vsel vm9, v54, v31;
	vm9 =	vnez.u8 v13;
	v21 =	vadd.f32 v25, v21  }
0xef: {  	v27 =	vsel vm2, $0x0, v27;
	v26 =	vsel vm9, v48, v26;
	vm9 =	vnez.u8 v14;
	v25 =	vld [tilespmem:$0x1FE30]  }
0xf0: {  	v20 =	vsel vm9, v52, v20;
	v52 =	vld [tilespmem:$0x1FD80];
	v21 =	vadd.f32 v27, v21  }
0xf1: {  	v11 =	vadd.f32 $-4.992065730e-01, v11;
	v22 =	vmul.f32 v22, v2;
	v27 =	vld [tilespmem:$0x1FE60]  }
0xf2: {  	s17 =	sshra.s32 s16, $0x2;
	v16 =	vadd.f32 $5.621959080e-07, v16;
	[tilespmem:$0x1FE20] =	vst v21;
	v21 =	vld [tilespmem:$0x1FCF0]  }
0xf3: {  	v32 =	vmul.f32 v11, v62;
	v11 =	vld [tilespmem:s17+$0x2080];
	v22 =	vadd.f32 $9.999575010e-01, v22  }
0xf4: {  	v1 =	vld [tilespmem:s17+$0x2090];
	v29 =	vadd.f32 $5.621959080e-07, v9;
	v26 =	vadd.f32 v16, v26  }
0xf5: {  	v4 =	vld [tilespmem:s17+$0x20A0];
	v28 =	vadd.f32 v28, v46;
	v25 =	vadd.f32 v52, v25  }
0xf6: {  	v7 =	vld [tilespmem:s17+$0x20B0];
	v29 =	vadd.f32 v29, v45;
	v31 =	vadd.f32 v60, v31;
	v26 =	vsel vm0, $0x0, v26  }
0xf7: {  	v22 =	vmul.f32 v22, v2;
	v2 =	vld [tilespmem:s17+$0x20C0];
	v26 =	vadd.f32 v26, v27;
	v21 =	vadd.f32 v21, v25  }
0xf8: {  	v32 =	vadd.f32 $9.999575010e-01, v32;
	v29 =	vsel vm5, $0x0, v29;
	v27 =	vld [tilespmem:$0x1FE70]  }
0xf9: {  	v31 =	vsel vm12, $0x0, v31;
	v26 =	vadd.f32 v29, v26;
	[tilespmem:$0x1FE30] =	vst v21;
	v21 =	vsel vm1, $0x0, v28;
	v28 =	vld [tilespmem:$0x1FDB0]  }
0xfa: {  	v5 =	vld [tilespmem:s17+$0x20D0];
	v32 =	vmul.f32 v32, v62;
	v31 =	vadd.f32 v31, v34  }
0xfb: {  	[tilespmem:$0x1FE60] =	vst v26;
	v26 =	vld [tilespmem:$0x1FD10]  }
0xfc: {  	v32 =	vadd.f32 $5.621959080e-07, v32;
	v21 =	vadd.f32 v21, v31;
	v31 =	vld [tilespmem:$0x1FE80]  }
0xfd: {  	v6 =	vld [tilespmem:s17+$0x20E0]  }
0xfe: {  	v15 =	vld [tilespmem:$0x1FFD0];
	v20 =	vadd.f32 v32, v20;
	v27 =	vadd.f32 v28, v27  }
0xff: {  	v8 =	vld [tilespmem:s17+$0x20F0]  }
0x100: {  	v9 =	vld [tilespmem:s17+$0x2000];
	v20 =	vsel vm10, $0x0, v20;
	v26 =	vadd.f32 v26, v27  }
0x101: {  	v29 =	vld [tilespmem:$0x1FDD0];
	v20 =	vadd.f32 v20, v31  }
0x102: {  	v58 =	vld [tilespmem:s17+$0x2020];
	[tilespmem:$0x1FE70] =	vst v26;
	v26 =	vsel vm7, $0x0, v30  }
0x103: {  	vm9 =	vnez.u8 v15;
	v20 =	vadd.f32 v26, v20;
	v26 =	vld [tilespmem:$0x1FEA0]  }
0x104: {  	v59 =	vld [tilespmem:s17+$0x2030];
	v17 =	vsel vm9, v53, v17  }
0x105: {  	v62 =	vld [tilespmem:s17+$0x50];
	v22 =	vadd.f32 $5.621959080e-07, v22;
	v17 =	vadd.f32 v57, v17  }
0x106: {  	v10 =	vld [tilespmem:s17+$0x2010];
	vm0 =	vnez.u8 v29  }
0x107: {  	v22 =	vadd.f32 v22, v51;
	v3 =	vld [tilespmem:s17+$0x2040];
	v17 =	vsel vm0, $0x0, v17  }
0x108: {  	v35 =	vld [tilespmem:s17+$0x2050];
	v17 =	vadd.f32 v17, v26  }
0x109: {  	v22 =	vsel vm11, $0x0, v22;
	v29 =	vld [tilespmem:$0x1FDE0]  }
0x10a: {  	v26 =	vld [tilespmem:$0x1FEB0];
	v17 =	vadd.f32 v22, v17  }
0x10b: {  	v37 =	vld [tilespmem:s17+$0x2060]  }
0x10c: {  	[tilespmem:$0x1FEA0] =	vst v17;
	v17 =	vld [tilespmem:$0x1FD50]  }
0x10d: {  	v49 =	vld [tilespmem:$0x1FE10]  }
0x10e: {  	v24 =	vld [tilespmem:s17+$0xC0]  }
0x10f: {  	v16 =	vld [tilespmem:$0x1FFF0];
	v26 =	vadd.f32 v29, v26  }
0x110: {  	v56 =	vld [tilespmem:s17+$0x10D0]  }
0x111: {  	v55 =	vld [tilespmem:$0x1FDA0];
	v17 =	vadd.f32 v17, v26  }
0x112: {  	v63 =	vimm.s32 $0x0;
	vm5 =	veq.s32 v2, $0xFFFFFFFF;
	v29 =	vld [tilespmem:$0x1FDF0]  }
0x113: {  	vm4 =	veq.s32 v5, $0xFFFFFFFF;
	vm6 =	veq.s32 v6, $0xFFFFFFFF;
	vm3 =	veq.s32 v8, $0xFFFFFFFF;
	[tilespmem:$0x1FEB0] =	vst v17;
	v17 =	vld [tilespmem:$0x1FD60]  }
0x114: {  	vm11 =	veq.s32 v58, $0xFFFFFFFF;
	vm14 =	veq.s32 v11, $0xFFFFFFFF;
	[tilespmem:$0x1FC80] =	vst v18;
	v18 =	vld [tilespmem:$0x1FCD0];
	vm9 =	vnez.u8 v16  }
0x115: {  	vm15 =	veq.s32 v37, $0xFFFFFFFF;
	vm13 =	veq.s32 v10, $0xFFFFFFFF;
	v54 =	vld [tilespmem:$0x1FE50];
	v19 =	vsel vm9, v50, v19  }
0x116: {  	vm8 =	veq.s32 v11, $0x1;
	v11 =	vimm.s32 $0x0;
	v60 =	vld [tilespmem:s17+$0x10F0];
	v19 =	vadd.f32 v61, v19  }
0x117: {  	v11 =	vsel vm8, $0xFFFFFFFF, v11;
	vm8 =	veq.s32 v1, $0x1;
	v57 =	vld [tilespmem:$0x1FDC0];
	vm0 =	vnez.u8 v29  }
0x118: {  	v50 =	vadd.f32 v44, v49;
	[tilespmem:$0x1FE40] =	vst v21;
	v21 =	vld [tilespmem:$0x1FD00];
	v19 =	vsel vm0, $0x0, v19;
	vm0 =	vnez.u8 v17  }
0x119: {  	v31 =	vld [tilespmem:$0x1FE90];
	v17 =	vsel vm0, $0x0, v23;
	vm0 =	veq.s32 v1, $0xFFFFFFFF;
	v1 =	vimm.s32 $0x0  }
0x11a: {  	vm2 =	veq.s32 v4, $0xFFFFFFFF;
	v53 =	vld [tilespmem:s17+$0xD0];
	v18 =	vadd.f32 v18, v50;
	[tilespmem:$0x1FE80] =	vst v20;
	v1 =	vsel vm8, $0xFFFFFFFF, v1  }
0x11b: {  	vm12 =	veq.s32 v9, $0xFFFFFFFF;
	v20 =	vld [tilespmem:$0x1FD20];
	vm8 =	veq.s32 v4, $0x1;
	[tilespmem:$0x1FC00] =	vst v1;
	v1 =	vimm.s32 $0x0  }
0x11c: {  	v34 =	vadd.f32 v55, v54;
	vm10 =	veq.s32 v59, $0xFFFFFFFF;
	[tilespmem:$0x1FE10] =	vst v18;
	v18 =	vld [tilespmem:s17+$0x10C0];
	v1 =	vsel vm8, $0xFFFFFFFF, v1  }
0x11d: {  	vm9 =	veq.s32 v35, $0xFFFFFFFF;
	v25 =	vld [tilespmem:s17+$0xE0];
	vm8 =	veq.s32 v7, $0x1;
	[tilespmem:$0x1FC10] =	vst v1;
	v1 =	vimm.s32 $0x0  }
0x11e: {  	v28 =	vld [tilespmem:s17+$0xF0];
	v21 =	vadd.f32 v21, v34;
	v31 =	vadd.f32 v57, v31;
	v1 =	vsel vm8, $0xFFFFFFFF, v1  }
0x11f: {  	v61 =	vimm.s32 $0x0;
	v30 =	vld [tilespmem:$0x1FEC0];
	vm8 =	veq.s32 v2, $0x1;
	[tilespmem:$0x1FC20] =	vst v1;
	v1 =	vimm.s32 $0x0  }
0x120: {  	v39 =	vsel vm15, $0xFFFFFFFF, v61;
	v27 =	vld [tilespmem:s17+$0x0];
	[tilespmem:$0x1FE50] =	vst v21;
	v20 =	vadd.f32 v20, v31;
	v1 =	vsel vm8, $0xFFFFFFFF, v1  }
0x121: {  	v18 =	vsub.f32 v18, v24;
	v21 =	vld [tilespmem:s17+$0x10E0];
	vm8 =	veq.s32 v5, $0x1;
	[tilespmem:$0x1FC30] =	vst v1;
	v1 =	vimm.s32 $0x0  }
0x122: {  	vm1 =	veq.s32 v7, $0xFFFFFFFF;
	v24 =	vsub.f32 v56, v53;
	v31 =	vld [tilespmem:$0x1FE00];
	[tilespmem:$0x1FE90] =	vst v20;
	v1 =	vsel vm8, $0xFFFFFFFF, v1  }
0x123: {  	v32 =	vsub.f32 $0.0e+00, v18;
	v20 =	vld [tilespmem:s17+$0x1000];
	vm8 =	veq.s32 v6, $0x1;
	[tilespmem:$0x1FC40] =	vst v1;
	v1 =	vimm.s32 $0x0  }
0x124: {  	v41 =	vsub.f32 $0.0e+00, v24;
	v19 =	vadd.f32 v19, v30;
	v30 =	vld [tilespmem:$0x1FED0];
	v1 =	vsel vm8, $0xFFFFFFFF, v1  }
0x125: {  	v38 =	vld [tilespmem:s17+$0x2070];
	vm7 =	veq.s32 v3, $0xFFFFFFFF;
	vm8 =	veq.s32 v8, $0x1;
	[tilespmem:$0x1FC50] =	vst v1;
	v1 =	vimm.s32 $0x0  }
0x126: {  	v14 =	vld [tilespmem:s17+$0x90];
	v21 =	vsub.f32 v21, v25;
	v25 =	vsub.f32 v60, v28;
	v1 =	vsel vm8, $0xFFFFFFFF, v1  }
0x127: {  	v15 =	vld [tilespmem:s17+$0x1090];
	v26 =	vimm.s32 $0x0;
	vm8 =	veq.s32 v9, $0x1;
	[tilespmem:$0x1FEF0] =	vst v1;
	v1 =	vimm.s32 $0x0  }
0x128: {  	v27 =	vsub.f32 v20, v27;
	v29 =	vld [tilespmem:s17+$0x10];
	v17 =	vadd.f32 v17, v19;
	v1 =	vsel vm8, $0xFFFFFFFF, v1  }
0x129: {  	v30 =	vadd.f32 v31, v30;
	v31 =	vld [tilespmem:s17+$0x1010];
	vm8 =	veq.s32 v10, $0x1;
	[tilespmem:$0x1FF10] =	vst v1;
	v1 =	vimm.s32 $0x0  }
0x12a: {  	v26 =	vsel vm3, $0xFFFFFFFF, v26;
	vm3 =	veq.s32 v38, $0xFFFFFFFF;
	[tilespmem:$0x1FEC0] =	vst v17;
	v17 =	vld [tilespmem:$0x1FD70];
	v1 =	vsel vm8, $0xFFFFFFFF, v1  }
0x12b: {  	v40 =	vsel vm3, $0xFFFFFFFF, v63;
	v2 =	vld [tilespmem:s17+$0x60];
	vm8 =	veq.s32 v58, $0x1;
	[tilespmem:$0x1FF30] =	vst v1;
	v1 =	vimm.s32 $0x0  }
0x12c: {  	v42 =	vsub.f32 $0.0e+00, v21;
	[tilespmem:$0x1FDF0] =	vst v40;
	v40 =	vsub.f32 v15, v14;
	v6 =	vld [tilespmem:s17+$0x1060];
	v1 =	vsel vm8, $0xFFFFFFFF, v1  }
0x12d: {  	v46 =	vld [tilespmem:s17+$0x10A0];
	v45 =	vsub.f32 $0.0e+00, v27;
	vm8 =	veq.s32 v59, $0x1;
	[tilespmem:$0x1FF50] =	vst v1;
	v1 =	vimm.s32 $0x0  }
0x12e: {  	v51 =	vld [tilespmem:s17+$0x10B0];
	[tilespmem:$0x1FBF0] =	vst v11;
	v15 =	vmax.f32 v40, $0.0e+00;
	v19 =	vimm.s32 $0x0;
	v1 =	vsel vm8, $0xFFFFFFFF, v1  }
0x12f: {  	v11 =	vld [tilespmem:s17+$0x1050];
	v19 =	vsel vm2, $0xFFFFFFFF, v19;
	vm8 =	veq.s32 v3, $0x1;
	[tilespmem:$0x1FF70] =	vst v1;
	v1 =	vimm.s32 $0x0  }
0x130: {  	v23 =	vld [tilespmem:s17+$0x1030];
	[tilespmem:$0x1FCE0] =	vst v19;
	v28 =	vsub.f32 v31, v29;
	v17 =	vadd.f32 v17, v30;
	v1 =	vsel vm8, $0xFFFFFFFF, v1  }
0x131: {  	v19 =	vld [tilespmem:s17+$0x30];
	v2 =	vsub.f32 v6, v2;
	vm8 =	veq.s32 v35, $0x1;
	[tilespmem:$0x1FF90] =	vst v1;
	v1 =	vimm.s32 $0x0  }
0x132: {  	v12 =	vld [tilespmem:s17+$0x80];
	v3 =	vimm.s32 $0x0;
	v1 =	vsel vm8, $0xFFFFFFFF, v1;
	vm8 =	veq.s32 v37, $0x1  }
0x133: {  	v13 =	vld [tilespmem:s17+$0x1080];
	[tilespmem:$0x1FD60] =	vst v26;
	v6 =	vimm.s32 $0x0;
	v3 =	vsel vm8, $0xFFFFFFFF, v3;
	vm8 =	veq.s32 v38, $0x1  }
0x134: {  	v48 =	vld [tilespmem:s17+$0xB0];
	v61 =	vsub.f32 v15, v40;
	v5 =	vsub.f32 v11, v62;
	[tilespmem:$0x1FED0] =	vst v17;
	v6 =	vsel vm8, $0xFFFFFFFF, v6  }
0x135: {  	v16 =	vld [tilespmem:s17+$0xA0];
	v11 =	vmax.f32 v21, $0.0e+00;
	v47 =	vsub.f32 $0.0e+00, v28;
	[tilespmem:$0x1FFF0] =	vst v6;
	v6 =	vsel vm14, $0x0, v0  }
0x136: {  	v22 =	vld [tilespmem:s17+$0x20];
	v4 =	vsub.f32 v23, v19;
	v23 =	vsub.f32 $0.0e+00, v40;
	[tilespmem:$0x1FCC0] =	vst v6;
	v6 =	vsel vm0, $0x0, v0  }
0x137: {  	v43 =	vsub.f32 v11, v21;
	v53 =	vsub.f32 $0.0e+00, v5;
	v17 =	vld [tilespmem:s17+$0x1020];
	[tilespmem:$0x1FCD0] =	vst v6;
	v6 =	vsel vm2, $0x0, v0  }
0x138: {  	v20 =	vmax.f32 v5, $0.0e+00;
	v31 =	vmax.f32 v4, $0.0e+00;
	[tilespmem:$0x1FCF0] =	vst v6;
	v6 =	vsel vm1, $0x0, v0  }
0x139: {  	v9 =	vsub.f32 v13, v12;
	v13 =	vmax.f32 v18, $0.0e+00;
	[tilespmem:$0x1FD00] =	vst v6;
	v6 =	vsel vm5, $0x0, v0  }
0x13a: {  	v54 =	vsub.f32 v31, v4;
	v34 =	vsub.f32 v13, v18;
	[tilespmem:$0x1FD10] =	vst v6;
	v6 =	vsel vm4, $0x0, v0  }
0x13b: {  	v10 =	vsub.f32 v46, v16;
	v16 =	vsub.f32 v51, v48;
	[tilespmem:$0x1FD20] =	vst v6;
	v6 =	vsel vm12, $0x0, v0  }
0x13c: {  	v7 =	vsub.f32 v17, v22;
	v22 =	vsub.f32 $0.0e+00, v9;
	[tilespmem:$0x1FD30] =	vst v6;
	v6 =	vsel vm6, $0x0, v0  }
0x13d: {  	v14 =	vmax.f32 v9, $0.0e+00;
	v46 =	vsub.f32 $0.0e+00, v25;
	v51 =	vsub.f32 $0.0e+00, v4;
	[tilespmem:$0x1FD50] =	vst v6;
	v6 =	vld [tilespmem:$0x1FD60]  }
0x13e: {  	v60 =	vsub.f32 v14, v9;
	v17 =	vmax.f32 v2, $0.0e+00;
	v29 =	vsub.f32 $0.0e+00, v10  }
0x13f: {  	[tilespmem:$0x1FDD0] =	vst v39;
	v26 =	vld [tilespmem:s17+$0x40];
	v50 =	vsub.f32 $0.0e+00, v7;
	v39 =	vmax.f32 v7, $0.0e+00;
	v9 =	vmin.f32 v9, v22  }
0x140: {  	v30 =	vld [tilespmem:s17+$0x1040];
	v58 =	vsub.f32 $0.0e+00, v2;
	v22 =	vmin.f32 v40, v23;
	v9 =	vmul.f32 $1.442695020e+00, v9  }
0x141: {  	v8 =	vld [tilespmem:s17+$0x70];
	v4 =	vmin.f32 v4, v51;
	v55 =	vsub.f32 v39, v7;
	v22 =	vmul.f32 $1.442695020e+00, v22  }
0x142: {  	v12 =	vld [tilespmem:s17+$0x1070];
	v7 =	vmin.f32 v7, v50;
	(erf) = vpow2.f32 v9;
	[tilespmem:$0x1FFB0] =	vst v1;
	vm2 =	vnez.u8 v6  }
0x143: {  	v7 =	vmul.f32 $1.442695020e+00, v7;
	v35 =	vmax.f32 v25, $0.0e+00;
	[tilespmem:$0x1FFD0] =	vst v3;
	v6 =	vsel vm2, $0x0, v0  }
0x144: {  	(erf) = vpow2.f32 v22;
	v57 =	vsub.f32 v35, v25;
	[tilespmem:$0x1FD70] =	vst v6;
	v6 =	vsel vm13, $0x0, v0  }
0x145: {  	v37 =	vmax.f32 v27, $0.0e+00;
	v1 =	vsub.f32 v30, v26;
	[tilespmem:$0x1FC90] =	vst v6;
	v6 =	vsel vm11, $0x0, v0  }
0x146: {  	v30 =	vsub.f32 $0.0e+00, v16;
	v38 =	vmax.f32 v28, $0.0e+00;
	[tilespmem:$0x1FD80] =	vst v6;
	v6 =	vsel vm10, $0x0, v0  }
0x147: {  	v49 =	vsub.f32 v37, v27;
	v3 =	vsub.f32 v12, v8;
	[tilespmem:$0x1FDA0] =	vst v6;
	v6 =	vsel vm7, $0x0, v0  }
0x148: {  	vm8 =	vmmov vm14;
	v8 =	vmax.f32 v16, $0.0e+00;
	[tilespmem:$0x1FDB0] =	vst v6;
	v6 =	vsel vm9, $0x0, v0  }
0x149: {  	v12 =	vmax.f32 v24, $0.0e+00;
	v56 =	vsub.f32 v38, v28;
	[tilespmem:$0x1FDC0] =	vst v6;
	v6 =	vsel vm15, $0x0, v0  }
0x14a: {  	v52 =	vsub.f32 $0.0e+00, v1;
	v26 =	vmax.f32 v1, $0.0e+00;
	[tilespmem:$0x1FDE0] =	vst v6;
	v6 =	vsel vm3, $0x0, v0  }
0x14b: {  	v33 =	vsub.f32 v8, v16;
	v36 =	vsub.f32 v12, v24;
	[tilespmem:$0x1FE00] =	vst v6;
	v6 =	vmax.f32 v10, $0.0e+00  }
0x14c: {  	v16 =	vmin.f32 v16, v30;
	v62 =	vsub.f32 v6, v10;
	v10 =	vmin.f32 v10, v29  }
0x14d: {  	vm14 =	vmmov vm12;
	v59 =	vsub.f32 $0.0e+00, v3;
	v10 =	vmul.f32 $1.442695020e+00, v10  }
0x14e: {  	v19 =	vmax.f32 v3, $0.0e+00;
	v9 =	vmul.f32 $1.442695020e+00, v16;
	v16 =	vmin.f32 v18, v32  }
0x14f: {  	v18 =	vmin.f32 v24, v41;
	v16 =	vmul.f32 $1.442695020e+00, v16;
	(erf) = vpow2.f32 v10  }
0x150: {  	v10 =	vmul.f32 $1.442695020e+00, v18;
	v18 =	vmin.f32 v21, v42;
	(erf) = vpow2.f32 v9  }
0x151: {  	v9 =	vmul.f32 $1.442695020e+00, v18;
	v18 =	vmin.f32 v25, v46;
	(erf) = vpow2.f32 v16  }
0x152: {  	v16 =	vmin.f32 v27, v45;
	v18 =	vmul.f32 $1.442695020e+00, v18;
	(erf) = vpow2.f32 v10  }
0x153: {  	v10 =	vmul.f32 $1.442695020e+00, v16;
	v16 =	vmin.f32 v28, v47;
	(erf) = vpow2.f32 v9  }
0x154: {  	v21 =	vmin.f32 v2, v58;
	v9 =	vmul.f32 $1.442695020e+00, v16;
	(erf) = vpow2.f32 v18  }
0x155: {  	v16 =	vmin.f32 v1, v52;
	v18 =	vmul.f32 $1.442695020e+00, v4;
	(erf) = vpow2.f32 v10  }
0x156: {  	v10 =	vmin.f32 v5, v53;
	v53 =	vsub.f32 v17, v2;
	v2 =	vld [tilespmem:$0x1FBF0];
	(erf) = vpow2.f32 v9  }
0x157: {  	v48 =	vsub.f32 v26, v1;
	v63 =	vpop (erf);
	v22 =	vmul.f32 $1.442695020e+00, v16;
	(erf) = vpow2.f32 v7  }
0x158: {  	v50 =	vsub.f32 v19, v3;
	v1 =	vpop (erf);
	v23 =	vmul.f32 $1.442695020e+00, v10;
	(erf) = vpow2.f32 v18  }
0x159: {  	v16 =	vmul.f32 $1.442695020e+00, v21;
	v4 =	vpop (erf);
	v18 =	vmin.f32 v3, v59;
	(erf) = vpow2.f32 v22  }
0x15a: {  	v52 =	vsub.f32 v20, v5;
	v7 =	vpop (erf);
	v5 =	vmul.f32 $1.442695020e+00, v18;
	(erf) = vpow2.f32 v23  }
0x15b: {  	vm12 =	vmmov vm10;
	v9 =	vpop (erf);
	vm2 =	vnez.u8 v2;
	v2 =	vld [tilespmem:$0x1FC00];
	(erf) = vpow2.f32 v16  }
0x15c: {  	vm10 =	vmmov vm9;
	v3 =	vmul.f32 $1.011908330e-02, v63;
	v10 =	vpop (erf);
	(erf) = vpow2.f32 v5;
	v5 =	vld [tilespmem:$0x1FC10]  }
0x15d: {  	vm15 =	vmmov vm13;
	vm13 =	vmmov vm11;
	vm11 =	vmmov vm6  }
0x15e: {  	vm3 =	vmmov vm8;
	vm8 =	vmmov vm0;
	v25 =	vadd.f32 $-5.262485150e-02, v3  }
0x15f: {  	v44 =	vsel vm2, v60, v14;
	v14 =	vmul.f32 $1.011908330e-02, v1;
	v16 =	vmul.f32 $1.011908330e-02, v7  }
0x160: {  	v18 =	vmul.f32 $1.011908330e-02, v10;
	v25 =	vmul.f32 v25, v63;
	vm2 =	vnez.u8 v2  }
0x161: {  	v42 =	vsel vm2, v61, v15;
	v15 =	vmul.f32 $1.011908330e-02, v4;
	vm2 =	vnez.u8 v5  }
0x162: {  	v24 =	vld [tilespmem:$0x1FC50];
	v14 =	vadd.f32 $-5.262485150e-02, v14;
	v16 =	vadd.f32 $-5.262485150e-02, v16;
	v5 =	vsel vm2, v62, v6  }
0x163: {  	vm0 =	vmmov vm7;
	v18 =	vadd.f32 $-5.262485150e-02, v18;
	v15 =	vadd.f32 $-5.262485150e-02, v15;
	[tilespmem:$0x1FCA0] =	vst v5;
	v5 =	vld [tilespmem:$0x1FC20]  }
0x164: {  	v25 =	vadd.f32 $1.307650360e-01, v25;
	v14 =	vmul.f32 v14, v1;
	v16 =	vmul.f32 v16, v7  }
0x165: {  	vm7 =	vmmov vm4;
	v18 =	vmul.f32 v18, v10;
	v15 =	vmul.f32 v15, v4  }
0x166: {  	v25 =	vmul.f32 v25, v63;
	v14 =	vadd.f32 $1.307650360e-01, v14;
	v16 =	vadd.f32 $1.307650360e-01, v16  }
0x167: {  	vm4 =	vnez.u8 v24;
	v18 =	vadd.f32 $1.307650360e-01, v18;
	v15 =	vadd.f32 $1.307650360e-01, v15  }
0x168: {  	v2 =	vpop (erf);
	v25 =	vadd.f32 $-2.228362560e-01, v25;
	v14 =	vmul.f32 v14, v1;
	vm2 =	vnez.u8 v5  }
0x169: {  	v6 =	vpop (erf);
	v16 =	vmul.f32 v16, v7;
	v15 =	vmul.f32 v15, v4;
	v46 =	vsel vm2, v33, v8;
	v8 =	vld [tilespmem:$0x1FC30]  }
0x16a: {  	v18 =	vmul.f32 v18, v10;
	v25 =	vmul.f32 v25, v63;
	v14 =	vadd.f32 $-2.228362560e-01, v14;
	v5 =	vpop (erf)  }
0x16b: {  	v21 =	vld [tilespmem:$0x1FC40];
	v16 =	vadd.f32 $-2.228362560e-01, v16;
	v22 =	vmul.f32 $1.011908330e-02, v5;
	v15 =	vadd.f32 $-2.228362560e-01, v15  }
0x16c: {  	v51 =	vsel vm4, v43, v11;
	v18 =	vadd.f32 $-2.228362560e-01, v18;
	v25 =	vadd.f32 $3.269731100e-01, v25  }
0x16d: {  	v14 =	vmul.f32 v14, v1;
	v22 =	vadd.f32 $-5.262485150e-02, v22;
	v15 =	vmul.f32 v15, v4  }
0x16e: {  	v16 =	vmul.f32 v16, v7;
	v18 =	vmul.f32 v18, v10;
	vm2 =	vnez.u8 v8  }
0x16f: {  	v22 =	vmul.f32 v22, v5;
	v8 =	vpop (erf);
	v40 =	vadd.f32 $3.269731100e-01, v15;
	v45 =	vsel vm2, v34, v13  }
0x170: {  	v13 =	vmul.f32 $1.011908330e-02, v9;
	vm2 =	vnez.u8 v21;
	v21 =	vmul.f32 $1.011908330e-02, v6;
	v58 =	vpop (erf)  }
0x171: {  	v23 =	vmul.f32 $1.011908330e-02, v8;
	v22 =	vadd.f32 $1.307650360e-01, v22;
	v47 =	vsel vm2, v36, v12;
	v59 =	vpop (erf)  }
0x172: {  	v12 =	vld [tilespmem:$0x1FCE0];
	v11 =	vmul.f32 $1.011908330e-02, v58;
	v24 =	vmul.f32 $1.011908330e-02, v59;
	v60 =	vpop (erf);
	v13 =	vadd.f32 $-5.262485150e-02, v13  }
0x173: {  	v21 =	vadd.f32 $-5.262485150e-02, v21;
	v23 =	vadd.f32 $-5.262485150e-02, v23;
	v22 =	vmul.f32 v22, v5;
	v62 =	vpop (erf)  }
0x174: {  	v27 =	vmul.f32 $1.011908330e-02, v60;
	v11 =	vadd.f32 $-5.262485150e-02, v11;
	v28 =	vmul.f32 $1.011908330e-02, v62  }
0x175: {  	v61 =	vpop (erf);
	v24 =	vadd.f32 $-5.262485150e-02, v24;
	v13 =	vmul.f32 v13, v9;
	v21 =	vmul.f32 v21, v6  }
0x176: {  	v23 =	vmul.f32 v23, v8;
	v22 =	vadd.f32 $-2.228362560e-01, v22;
	v29 =	vmul.f32 $1.011908330e-02, v61  }
0x177: {  	v3 =	vpop (erf);
	v27 =	vadd.f32 $-5.262485150e-02, v27;
	v11 =	vmul.f32 v11, v58;
	vm2 =	vnez.u8 v12  }
0x178: {  	v12 =	vmul.f32 $1.011908330e-02, v2;
	v30 =	vmul.f32 $1.011908330e-02, v3;
	v28 =	vadd.f32 $-5.262485150e-02, v28  }
0x179: {  	v24 =	vmul.f32 v24, v59;
	v13 =	vadd.f32 $1.307650360e-01, v13;
	v21 =	vadd.f32 $1.307650360e-01, v21  }
0x17a: {  	v23 =	vadd.f32 $1.307650360e-01, v23;
	v29 =	vadd.f32 $-5.262485150e-02, v29;
	v27 =	vmul.f32 v27, v60  }
0x17b: {  	v11 =	vadd.f32 $1.307650360e-01, v11;
	v12 =	vadd.f32 $-5.262485150e-02, v12;
	v28 =	vmul.f32 v28, v62  }
0x17c: {  	v30 =	vadd.f32 $-5.262485150e-02, v30;
	v13 =	vmul.f32 v13, v9;
	v21 =	vmul.f32 v21, v6  }
0x17d: {  	v24 =	vadd.f32 $1.307650360e-01, v24;
	v23 =	vmul.f32 v23, v8;
	v29 =	vmul.f32 v29, v61  }
0x17e: {  	v27 =	vadd.f32 $1.307650360e-01, v27;
	v11 =	vmul.f32 v11, v58;
	v12 =	vmul.f32 v12, v2  }
0x17f: {  	v30 =	vmul.f32 v30, v3;
	v28 =	vadd.f32 $1.307650360e-01, v28;
	v13 =	vadd.f32 $-2.228362560e-01, v13  }
0x180: {  	v24 =	vmul.f32 v24, v59;
	v21 =	vadd.f32 $-2.228362560e-01, v21;
	v23 =	vadd.f32 $-2.228362560e-01, v23  }
0x181: {  	v29 =	vadd.f32 $1.307650360e-01, v29;
	v27 =	vmul.f32 v27, v60;
	v11 =	vadd.f32 $-2.228362560e-01, v11  }
0x182: {  	v12 =	vadd.f32 $1.307650360e-01, v12;
	v28 =	vmul.f32 v28, v62;
	v13 =	vmul.f32 v13, v9  }
0x183: {  	v30 =	vadd.f32 $1.307650360e-01, v30;
	v33 =	vmul.f32 v21, v6;
	v21 =	vmul.f32 v22, v5  }
0x184: {  	v24 =	vadd.f32 $-2.228362560e-01, v24;
	v34 =	vmul.f32 v23, v8;
	v29 =	vmul.f32 v29, v61  }
0x185: {  	v27 =	vadd.f32 $-2.228362560e-01, v27;
	v12 =	vmul.f32 v12, v2;
	v28 =	vadd.f32 $-2.228362560e-01, v28  }
0x186: {  	v36 =	vmul.f32 v24, v59;
	v41 =	vadd.f32 $3.269731100e-01, v13;
	v24 =	vadd.f32 $3.269731100e-01, v18  }
0x187: {  	v30 =	vmul.f32 v30, v3;
	v21 =	vadd.f32 $3.269731100e-01, v21;
	v18 =	vadd.f32 $3.269731100e-01, v34  }
0x188: {  	v29 =	vadd.f32 $-2.228362560e-01, v29;
	v43 =	vmul.f32 v27, v60;
	v27 =	vadd.f32 $3.269731100e-01, v14  }
0x189: {  	p0 =	sne.s32 s16, $0x3C00;
	v25 =	vmul.f32 v25, v63;
	v12 =	vadd.f32 $-2.228362560e-01, v12;
	v23 =	vadd.f32 $-2.228362560e-01, v30  }
.Ltmp0:
0x18a: {  	v30 =	vmul.f32 v11, v58;
	v11 =	vmul.f32 v28, v62;
	v28 =	vadd.f32 $3.269731100e-01, v16;
	(pc) =	sbr.rel @p0 .LBB2_2-.Ltmp0, $4  }
0x18b: {  	v14 =	vadd.f32 $3.269731100e-01, v36;
	v36 =	vld [tilespmem:$0x1FC60];
	v16 =	vadd.f32 $3.269731100e-01, v43;
	v32 =	vmul.f32 v12, v2  }
0x18c: {  	v43 =	vld [tilespmem:$0x1FC80];
	v12 =	vmul.f32 v29, v61;
	v13 =	vmul.f32 v23, v3;
	v23 =	vadd.f32 $3.269731100e-01, v33  }
0x18d: {  	v15 =	vadd.f32 $3.269731100e-01, v30;
	v29 =	vmul.f32 v27, v1;
	v27 =	vmul.f32 v40, v4;
	v40 =	vld [tilespmem:$0x1FC70]  }
0x18e: {  	s16 =	sadd.s32 $0x400, s16;
	v30 =	vmul.f32 v28, v7;
	v28 =	vmul.f32 v41, v9;
	v41 =	vmovc v44;
	v44 =	vld [tilespmem:$0x1FC90];
	v22 =	vadd.f32 $3.269731100e-01, v32  }
0x18f: {  	v25 =	vadd.f32 $-4.992065730e-01, v25;
	v29 =	vadd.f32 $-4.992065730e-01, v29  }
0x190: {  	v24 =	vmul.f32 v24, v10;
	v27 =	vadd.f32 $-4.992065730e-01, v27;
	v23 =	vmul.f32 v23, v6  }
0x191: {  	v21 =	vmul.f32 v21, v5;
	v18 =	vmul.f32 v18, v8;
	v11 =	vadd.f32 $3.269731100e-01, v11  }
0x192: {  	v15 =	vmul.f32 v15, v58;
	v12 =	vadd.f32 $3.269731100e-01, v12;
	v13 =	vadd.f32 $3.269731100e-01, v13  }
0x193: {  	v14 =	vmul.f32 v14, v59;
	v16 =	vmul.f32 v16, v60;
	v30 =	vadd.f32 $-4.992065730e-01, v30  }
0x194: {  	v28 =	vadd.f32 $-4.992065730e-01, v28;
	v22 =	vmul.f32 v22, v2;
	v25 =	vmul.f32 v25, v63  }
0x195: {  	v29 =	vmul.f32 v29, v1;
	v24 =	vadd.f32 $-4.992065730e-01, v24;
	v23 =	vadd.f32 $-4.992065730e-01, v23  }
0x196: {  	v27 =	vmul.f32 v27, v4;
	v21 =	vadd.f32 $-4.992065730e-01, v21;
	v18 =	vadd.f32 $-4.992065730e-01, v18  }
0x197: {  	v11 =	vmul.f32 v11, v62;
	v15 =	vadd.f32 $-4.992065730e-01, v15;
	v12 =	vmul.f32 v12, v61  }
0x198: {  	v32 =	vld [tilespmem:$0x1FEF0];
	v13 =	vmul.f32 v13, v3;
	v14 =	vadd.f32 $-4.992065730e-01, v14;
	v16 =	vadd.f32 $-4.992065730e-01, v16  }
0x199: {  	v33 =	vld [tilespmem:$0x1FF10];
	v30 =	vmul.f32 v30, v7;
	v28 =	vmul.f32 v28, v9;
	v22 =	vadd.f32 $-4.992065730e-01, v22  }
0x19a: {  	v34 =	vld [tilespmem:$0x1FF30];
	v25 =	vadd.f32 $9.999575010e-01, v25;
	v29 =	vadd.f32 $9.999575010e-01, v29;
	v24 =	vmul.f32 v24, v10  }
0x19b: {  	v27 =	vadd.f32 $9.999575010e-01, v27;
	v23 =	vmul.f32 v23, v6;
	v21 =	vmul.f32 v21, v5  }
0x19c: {  	v18 =	vmul.f32 v18, v8;
	v11 =	vadd.f32 $-4.992065730e-01, v11;
	v15 =	vmul.f32 v15, v58  }
0x19d: {  	v12 =	vadd.f32 $-4.992065730e-01, v12;
	v13 =	vadd.f32 $-4.992065730e-01, v13;
	v14 =	vmul.f32 v14, v59  }
0x19e: {  	v16 =	vmul.f32 v16, v60;
	vm9 =	vnez.u8 v32;
	vm4 =	vnez.u8 v33  }
0x19f: {  	vm6 =	vnez.u8 v34;
	v30 =	vadd.f32 $9.999575010e-01, v30;
	v28 =	vadd.f32 $9.999575010e-01, v28  }
0x1a0: {  	v22 =	vmul.f32 v22, v2;
	v32 =	vsel vm9, v57, v35;
	v33 =	vsel vm4, v49, v37  }
0x1a1: {  	v34 =	vsel vm6, v56, v38;
	v25 =	vmul.f32 v25, v63;
	v1 =	vmul.f32 v29, v1  }
0x1a2: {  	v37 =	vmul.f32 v27, v4;
	v24 =	vadd.f32 $9.999575010e-01, v24;
	v23 =	vadd.f32 $9.999575010e-01, v23  }
0x1a3: {  	v21 =	vadd.f32 $9.999575010e-01, v21;
	v18 =	vadd.f32 $9.999575010e-01, v18;
	v11 =	vmul.f32 v11, v62  }
0x1a4: {  	v15 =	vadd.f32 $9.999575010e-01, v15;
	v12 =	vmul.f32 v12, v61;
	v13 =	vmul.f32 v13, v3  }
0x1a5: {  	v14 =	vadd.f32 $9.999575010e-01, v14;
	v16 =	vadd.f32 $9.999575010e-01, v16;
	v38 =	vmul.f32 v30, v7  }
0x1a6: {  	v57 =	vld [tilespmem:$0x1FF50];
	v49 =	vmul.f32 v28, v9;
	v22 =	vadd.f32 $9.999575010e-01, v22;
	v1 =	vadd.f32 $5.621959080e-07, v1  }
0x1a7: {  	v56 =	vld [tilespmem:$0x1FCA0];
	v4 =	vadd.f32 $5.621959080e-07, v37;
	v15 =	vmul.f32 v15, v58;
	v11 =	vadd.f32 $9.999575010e-01, v11  }
0x1a8: {  	v63 =	vld [tilespmem:$0x1FF90];
	v14 =	vmul.f32 v14, v59;
	v12 =	vadd.f32 $9.999575010e-01, v12;
	v13 =	vadd.f32 $9.999575010e-01, v13  }
0x1a9: {  	v29 =	vld [tilespmem:$0x1FFF0];
	v16 =	vmul.f32 v16, v60;
	v7 =	vadd.f32 $5.621959080e-07, v38;
	v2 =	vmul.f32 v22, v2  }
0x1aa: {  	v28 =	vld [tilespmem:$0x1FFD0];
	v9 =	vadd.f32 $5.621959080e-07, v49;
	v1 =	vadd.f32 v1, v42;
	v11 =	vmul.f32 v11, v62  }
0x1ab: {  	v30 =	vld [tilespmem:$0x1FD30];
	v15 =	vadd.f32 $5.621959080e-07, v15;
	v14 =	vadd.f32 $5.621959080e-07, v14;
	v12 =	vmul.f32 v12, v61  }
0x1ac: {  	v37 =	vld [tilespmem:$0x1FD80];
	v3 =	vmul.f32 v13, v3;
	v16 =	vadd.f32 $5.621959080e-07, v16;
	vm4 =	vnez.u8 v57  }
0x1ad: {  	v58 =	vld [tilespmem:$0x1FED0];
	v4 =	vadd.f32 v4, v56;
	v7 =	vadd.f32 v7, v46;
	v57 =	vmul.f32 v23, v6  }
0x1ae: {  	v59 =	vld [tilespmem:$0x1FE00];
	v2 =	vadd.f32 $5.621959080e-07, v2;
	v23 =	vmul.f32 v21, v5;
	v9 =	vadd.f32 v9, v45  }
0x1af: {  	v60 =	vld [tilespmem:$0x1FD60];
	v35 =	vsel vm4, v55, v39;
	v55 =	vadd.f32 $5.621959080e-07, v25;
	vm4 =	vnez.u8 v63  }
0x1b0: {  	v38 =	vld [tilespmem:$0x1FE40];
	v25 =	vmul.f32 v18, v8;
	v11 =	vadd.f32 $5.621959080e-07, v11;
	v12 =	vadd.f32 $5.621959080e-07, v12  }
0x1b1: {  	v39 =	vld [tilespmem:$0x1FF70];
	v3 =	vadd.f32 $5.621959080e-07, v3;
	v1 =	vsel vm8, $0x0, v1;
	v6 =	vadd.f32 $5.621959080e-07, v57  }
0x1b2: {  	v42 =	vld [tilespmem:$0x1FD00];
	v22 =	vsel vm4, v48, v26;
	v2 =	vadd.f32 v2, v51;
	v5 =	vadd.f32 $5.621959080e-07, v23  }
0x1b3: {  	v45 =	vld [tilespmem:$0x1FDB0];
	v26 =	vadd.f32 v15, v35;
	vm4 =	vnez.u8 v28;
	v4 =	vsel vm2, $0x0, v4  }
0x1b4: {  	v35 =	vld [tilespmem:$0x1FE20];
	v7 =	vsel vm1, $0x0, v7;
	v9 =	vsel vm5, $0x0, v9;
	v8 =	vadd.f32 $5.621959080e-07, v25  }
0x1b5: {  	v46 =	vld [tilespmem:$0x1FE80];
	v17 =	vsel vm4, v53, v17;
	v16 =	vadd.f32 v16, v22;
	v5 =	vadd.f32 v5, v33  }
0x1b6: {  	v56 =	vld [tilespmem:$0x1FDE0];
	v6 =	vadd.f32 v6, v32;
	v13 =	vsel vm13, $0x0, v26;
	vm6 =	vnez.u8 v39  }
0x1b7: {  	v51 =	vld [tilespmem:$0x1FDD0];
	v8 =	vadd.f32 v8, v34;
	v5 =	vsel vm14, $0x0, v5;
	v27 =	vsel vm6, v54, v31  }
0x1b8: {  	v54 =	vmul.f32 v24, v10;
	v24 =	vadd.f32 v55, v41;
	v5 =	vadd.f32 v5, v36;
	v36 =	vld [tilespmem:$0x1FE30]  }
0x1b9: {  	v8 =	vsel vm15, $0x0, v8;
	v13 =	vadd.f32 v13, v35;
	v14 =	vadd.f32 v14, v27;
	v27 =	vld [tilespmem:$0x1FFB0]  }
0x1ba: {  	v12 =	vadd.f32 v12, v17;
	v16 =	vsel vm0, $0x0, v16;
	v8 =	vadd.f32 v8, v43;
	v43 =	vld [tilespmem:$0x1FE60]  }
0x1bb: {  	v41 =	vld [tilespmem:$0x1FCF0];
	v10 =	vadd.f32 $5.621959080e-07, v54;
	v31 =	vsel vm3, $0x0, v24;
	v4 =	vadd.f32 v4, v13  }
0x1bc: {  	v48 =	vld [tilespmem:$0x1FDC0];
	v5 =	vadd.f32 v31, v5;
	v1 =	vadd.f32 v1, v8;
	v14 =	vsel vm12, $0x0, v14  }
0x1bd: {  	v53 =	vld [tilespmem:$0x1FEA0];
	vm13 =	vnez.u8 v51;
	v10 =	vadd.f32 v10, v47;
	v14 =	vadd.f32 v14, v38  }
0x1be: {  	v32 =	vld [tilespmem:$0x1FE10];
	v17 =	vadd.f32 v37, v36;
	v1 =	vadd.f32 v1, v5;
	vm6 =	vnez.u8 v27  }
0x1bf: {  	v33 =	vld [tilespmem:$0x1FCC0];
	v7 =	vadd.f32 v7, v14;
	v16 =	vadd.f32 v16, v43;
	v15 =	vsel vm6, v52, v20  }
0x1c0: {  	v34 =	vld [tilespmem:$0x1FCD0];
	vm6 =	vnez.u8 v29;
	v13 =	vadd.f32 v41, v17;
	v1 =	vadd.f32 v4, v1  }
0x1c1: {  	v39 =	vld [tilespmem:$0x1FE50];
	v4 =	vsel vm13, $0x0, v12;
	v11 =	vadd.f32 v11, v15;
	v15 =	vadd.f32 v30, v40  }
0x1c2: {  	v18 =	vsel vm6, v50, v19;
	v40 =	vld [tilespmem:$0x1FDA0];
	v9 =	vadd.f32 v9, v16;
	v4 =	vadd.f32 v4, v53  }
0x1c3: {  	v3 =	vadd.f32 v3, v18;
	v18 =	vadd.f32 v44, v32;
	v44 =	vld [tilespmem:$0x1FE70]  }
0x1c4: {  	v2 =	vsel vm11, $0x0, v2;
	v55 =	vld [tilespmem:$0x1FEB0];
	v1 =	vadd.f32 v7, v1;
	v15 =	vadd.f32 v33, v15  }
0x1c5: {  	v47 =	vld [tilespmem:$0x1FE90];
	v11 =	vsel vm10, $0x0, v11;
	v2 =	vadd.f32 v2, v4;
	v8 =	vadd.f32 v34, v18  }
0x1c6: {  	v50 =	vld [tilespmem:$0x1FD10];
	v11 =	vadd.f32 v11, v46;
	v1 =	vadd.f32 v9, v1  }
0x1c7: {  	v54 =	vld [tilespmem:$0x1FDF0];
	v49 =	vsel vm7, $0x0, v10;
	v18 =	vadd.f32 v40, v39;
	v8 =	vadd.f32 v8, v15  }
0x1c8: {  	v52 =	vld [tilespmem:$0x1FD20];
	v5 =	vadd.f32 v49, v11;
	v17 =	vadd.f32 v45, v44  }
0x1c9: {  	v57 =	vld [tilespmem:$0x1FEC0];
	v14 =	vadd.f32 v42, v18;
	v8 =	vadd.f32 v13, v8  }
0x1ca: {  	v61 =	vld [tilespmem:$0x1FD50];
	v18 =	vadd.f32 v48, v47;
	v1 =	vadd.f32 v5, v1  }
0x1cb: {  	v10 =	vadd.f32 v50, v17;
	v8 =	vadd.f32 v14, v8  }
0x1cc: {  	vm14 =	vnez.u8 v54;
	v7 =	vadd.f32 v56, v55;
	v1 =	vadd.f32 v2, v1;
	v2 =	vld [tilespmem:$0x1FD70]  }
0x1cd: {  	v3 =	vsel vm14, $0x0, v3;
	v11 =	vadd.f32 v52, v18;
	v8 =	vadd.f32 v10, v8  }
0x1ce: {  	vm15 =	vnez.u8 v60;
	v9 =	vadd.f32 v59, v58;
	v3 =	vadd.f32 v3, v57  }
0x1cf: {  	v4 =	vsel vm15, $0x0, v6;
	v5 =	vadd.f32 v61, v7;
	v62 =	vadd.f32 v11, v8  }
0x1d0: {  	v3 =	vadd.f32 v4, v3  }
0x1d1: {  	v2 =	vadd.f32 v2, v9;
	v63 =	vadd.f32 v5, v62  }
0x1d2: {  	v1 =	vadd.f32 v3, v1  }
0x1d3: {  	s15 =	sadd.s32 $0x1, s15;
	v2 =	vadd.f32 v2, v63  }
0x1d4: {  	p0 =	sne.s32 s15, s7;
	[tilespmem:$0x3000] =	vst v1  }
.Ltmp1:
0x1d5: {  	[tilespmem:$0x3010] =	vst v2;
	(pc) =	sbr.rel @p0 .LBB2_1-.Ltmp1, $4  }
0x1d6: {  	[hbm4b:s6+s2] =	stream.linear.scatter [tilespmem:s13], [sflag:$0x4], $0x20, $0x38;
	[tilespmem:$0x3080] =	vst v63  }
0x1d7: {  	_ =	swait.ge [sflag:s14], $0x20  }
0x1d8: {  	[sflag:s14] =	ssyncset.done $0x0  }
0x1d9: {  	[sflag:s14] =	ssyncadd.s32 $0xFFFFFFE0  }
0x1da: {  	_ =	sfence.sel $0x180000  }
0x1db: {  	[bflag:$0x0] =	sbarrier.arrive $0xFFFF  }
0x1dc: {  	p0 =	sne.s32 s1, $0x0;
	_ =	strace $0x90000047  }
0x1dd: {  	s0 =	sadd.s32 @!p0 $0x100000, s0;
	[bflag:$0x2] =	sbarrier.arrive $0xFFFF  }
0x1de: {  	[sflag:s0] =	ssyncadd.tile.s32 @!p0 $0x1;
	_ =	shalt  }
.Lfunc_end2:
_tile_overlayer_lowered:
.L_overlay_start_2:
0x1df: {  	(tag) =	ssettag $0x2  }
0x1e0: {  	s0 =	rddreg [dreg:$0x0];
	s2 =	stileid.u32  }
0x1e1: {  	s1 =	rddreg [dreg:$0x1];
	p0 =	sne.s32 s2, $0x0  }
0x1e2: {  	s3 =	rddreg [dreg:$0x2];
	[bflag:$0x3] =	sbarrier.arrive $0xFFFF;
	s2 =	simm.s32 @!p0 $0x1C04  }
0x1e3: {  	[timem:s3], [sflag:s2] =	dma.local @!p0 [hbm:s0], s1  }
0x1e4: {  	s0 =	simm.s32 @!p0 $0x4  }
0x1e5: {  	_ =	swait.ge @!p0 [sflag:s0], s1  }
0x1e6: {  	s1 =	ssub.s32 @!p0 $0x0, s1;
	[sflag:s0] =	ssyncset.done @!p0 $0x0  }
0x1e7: {  	[sflag:s0] =	ssyncadd.s32 @!p0 s1  }
0x1e8: {  	[bflag:$0x3] =	sbarrier.arrive $0xFFFF  }
0x1e9: {  	_ =	shalt  }

</sc_bundles>
